<compile_context>
chip_gen: v7x
topology: tpu7x:2x2x1
jax: 0.10.2.dev20260603
libtpu: 0.0.44.dev20260713+nightly
codegen_flags: <defaults>
</compile_context>

<pallas_src>
import dataclasses
import functools

import jax
import jax.numpy as jnp
from jax import lax
from jax.experimental import pallas as pl
from jax.experimental.pallas import tpu as pltpu
from jax.experimental.pallas import tpu_sc as plsc

N = 10000
E = 160000
FEAT = 128
EMB = 256
DEPTH = 4

H = 128
NC = 2
NT = 16
K = 128
CH = 80
EPT = CH * K
EP = NT * EPT
NP = 10240
SEG = NP // NT
DUMMY = 10200
EC = EPT // 16

@functools.lru_cache(maxsize=1)
def _mesh():
    return plsc.VectorSubcoreMesh(core_axis_name="c", subcore_axis_name="s")


@functools.lru_cache(maxsize=1)
def _sc_params():
    cp = pltpu.CompilerParams()
    if "needs_layout_passes" in pltpu.CompilerParams.__dataclass_fields__:
        cp = dataclasses.replace(cp, needs_layout_passes=False)
    return cp


def _count_body(ei_hbm, out_hbm, idx_v, cnt_v, comb_v, sem_unused, part_sh):
    c = lax.axis_index("c")
    s = lax.axis_index("s")
    pltpu.sync_copy(ei_hbm.at[c, s], idx_v)

    @pl.loop(0, NP, step=16)
    def _zero(i):
        cnt_v[pl.ds(i, 16)] = jnp.zeros((16,), jnp.int32)

    ones = jnp.ones((16,), jnp.int32)

    @pl.loop(0, EC)
    def _count(j):
        plsc.addupdate_scatter(cnt_v, [idx_v[j]], ones)

    pltpu.sync_copy(cnt_v, part_sh.at[s])
    plsc.subcore_barrier()

    for t in range(NT):
        pltpu.sync_copy(part_sh.at[t, pl.ds(s * SEG, SEG)], comb_v.at[t])

    @pl.loop(0, SEG, step=16)
    def _sum(i):
        acc = comb_v[0, pl.ds(i, 16)]
        for t in range(1, NT):
            acc = acc + comb_v[t, pl.ds(i, 16)]
        cnt_v[pl.ds(i, 16)] = acc

    pltpu.sync_copy(cnt_v.at[pl.ds(0, SEG)], out_hbm.at[c, pl.ds(s * SEG, SEG)])


@jax.jit
def _count(ei_cnt):
    return pl.kernel(
        _count_body,
        out_type=jax.ShapeDtypeStruct((2, NP), jnp.int32),
        mesh=_mesh(),
        compiler_params=_sc_params(),
        scratch_types=[
            pltpu.VMEM((EC, 16), jnp.int32),
            pltpu.VMEM((NP,), jnp.int32),
            pltpu.VMEM((NT, SEG), jnp.int32),
            pltpu.SemaphoreType.DMA,
            pltpu.VMEM_SHARED((NT, NP), jnp.int32),
        ],
    )(ei_cnt)


def _agg_body(h_hbm, pkg_hbm, out_hbm,
              pbuf, isrc, idst, buf0, buf1, sem0, sem1, acc_sh):
    c = lax.axis_index("c")
    s = lax.axis_index("s")
    hc = h_hbm.at[c]
    mask = jnp.full((16,), (1 << 14) - 1, jnp.int32)
    sh = jnp.full((16,), 14, jnp.int32)

    def fetch_unpack(chunk, slot):
        pltpu.sync_copy(pkg_hbm.at[s, chunk], pbuf.at[slot])
        for i in range(0, K, 16):
            v = pbuf[slot, pl.ds(i, 16)]
            isrc[slot, pl.ds(i, 16)] = lax.shift_right_logical(v, sh)
            idst[slot, pl.ds(i, 16)] = lax.bitwise_and(v, mask)

    rows = pl.ds(s * SEG, SEG)
    zeros16 = jnp.zeros((16,), jnp.float32)

    @pl.loop(0, K)
    def _zrow(i):
        for f in range(0, H, 16):
            buf0[i, pl.ds(f, 16)] = zeros16

    for k in range(SEG // K):
        pltpu.sync_copy(buf0, acc_sh.at[pl.ds(s * SEG + k * K, K)])

    fetch_unpack(0, 0)
    pltpu.async_copy(hc.at[isrc.at[0]], buf0, sem0)
    plsc.subcore_barrier()

    @pl.loop(0, CH // 2)
    def _main(j):
        c1 = 2 * j + 1
        c2 = lax.rem(2 * j + 2, CH)
        fetch_unpack(c1, 1)
        pltpu.make_async_copy(hc.at[isrc.at[0]], buf0, sem0).wait()
        pltpu.async_copy(hc.at[isrc.at[1]], buf1, sem1)
        pltpu.sync_copy(buf0, acc_sh.at[idst.at[0]], add=True)
        fetch_unpack(c2, 0)
        pltpu.make_async_copy(hc.at[isrc.at[1]], buf1, sem1).wait()
        pltpu.async_copy(hc.at[isrc.at[0]], buf0, sem0)
        pltpu.sync_copy(buf1, acc_sh.at[idst.at[1]], add=True)

    pltpu.make_async_copy(hc.at[isrc.at[0]], buf0, sem0).wait()
    plsc.subcore_barrier()
    pltpu.sync_copy(acc_sh.at[rows], out_hbm.at[c].at[rows])


@jax.jit
def _agg(h, pkg):
    return pl.kernel(
        _agg_body,
        out_type=jax.ShapeDtypeStruct((NC, NP, H), jnp.float32),
        mesh=_mesh(),
        compiler_params=_sc_params(),
        scratch_types=[
            pltpu.VMEM((2, K), jnp.int32),
            pltpu.VMEM((2, K), jnp.int32),
            pltpu.VMEM((2, K), jnp.int32),
            pltpu.VMEM((K, H), jnp.float32),
            pltpu.VMEM((K, H), jnp.float32),
            pltpu.SemaphoreType.DMA,
            pltpu.SemaphoreType.DMA,
            pltpu.VMEM_SHARED((NP, H), jnp.float32),
        ],
    )(h, pkg)


def _build_body(x_ref, w0_ref, cnt_ref, h0_ref, sA_ref, tA_ref, sB_ref):
    co = cnt_ref[:, 0:1].astype(jnp.float32)
    ci = cnt_ref[:, 1:2].astype(jnp.float32)
    no = lax.rsqrt(jnp.maximum(co, 1.0))
    ni = lax.rsqrt(jnp.maximum(ci, 1.0))
    h0_ref[0] = x_ref[...] * no
    h0_ref[1] = w0_ref[...] * no
    sA_ref[...] = ni * no
    tA_ref[...] = no
    sB_ref[...] = ni


@jax.jit
def _build(x_p, w0, cnt_t):
    vec = jax.ShapeDtypeStruct((NP, 1), jnp.float32)
    return pl.pallas_call(
        _build_body,
        grid=(NP // SEG,),
        in_specs=[
            pl.BlockSpec((SEG, FEAT), lambda i: (i, 0)),
            pl.BlockSpec((1, EMB - FEAT), lambda i: (0, 0)),
            pl.BlockSpec((SEG, 2), lambda i: (i, 0)),
        ],
        out_specs=[
            pl.BlockSpec((NC, SEG, H), lambda i: (0, i, 0)),
            pl.BlockSpec((SEG, 1), lambda i: (i, 0)),
            pl.BlockSpec((SEG, 1), lambda i: (i, 0)),
            pl.BlockSpec((SEG, 1), lambda i: (i, 0)),
        ],
        out_shape=[
            jax.ShapeDtypeStruct((NC, NP, H), jnp.float32),
            vec, vec, vec,
        ],
    )(x_p, w0, cnt_t)


_RB = 1000


def _dense_body(m_ref, w_ref, b_ref, s_ref, t_ref, out_ref, *, last):
    mm = (jnp.dot(m_ref[0], w_ref[0:H, :], preferred_element_type=jnp.float32)
          + jnp.dot(m_ref[1], w_ref[H:EMB, :], preferred_element_type=jnp.float32))
    if last:
        y = jnp.maximum(mm * s_ref[...] + b_ref[...], 0.0)
        out_ref[...] = y
    else:
        y = jnp.maximum(mm * s_ref[...] + b_ref[...] * t_ref[...], 0.0)
        out_ref[0] = y[:, 0:H]
        out_ref[1] = y[:, H:EMB]


@functools.partial(jax.jit, static_argnames=("last",))
def _dense(m, W, b2d, sv, tv, last=False):
    if last:
        out_spec = pl.BlockSpec((_RB, EMB), lambda i: (i, 0))
        out_shape = jax.ShapeDtypeStruct((N, EMB), jnp.float32)
    else:
        out_spec = pl.BlockSpec((NC, _RB, H), lambda i: (0, i, 0))
        out_shape = jax.ShapeDtypeStruct((NC, NP, H), jnp.float32)
    return pl.pallas_call(
        functools.partial(_dense_body, last=last),
        grid=(N // _RB,),
        in_specs=[
            pl.BlockSpec((NC, _RB, H), lambda i: (0, i, 0)),
            pl.BlockSpec((EMB, EMB), lambda i: (0, 0)),
            pl.BlockSpec((1, EMB), lambda i: (0, 0)),
            pl.BlockSpec((_RB, 1), lambda i: (i, 0)),
            pl.BlockSpec((_RB, 1), lambda i: (i, 0)),
        ],
        out_specs=out_spec,
        out_shape=out_shape,
    )(m, W, b2d, sv, tv)


def kernel(x, edge_index, w0, W0, b0, W1, b1, W2, b2, W3, b3):
    src = edge_index[0]
    dst = edge_index[1]
    pad = jnp.full((EP - E,), DUMMY, jnp.int32)
    src_p = jnp.concatenate([src, pad])
    dst_p = jnp.concatenate([dst, pad])
    pkg = ((src_p << 14) | dst_p).reshape(NT, CH, K)
    ei_cnt = jnp.stack([src_p, dst_p]).reshape(2, NT, EC, 16)
    x_p = jnp.pad(x, ((0, NP - N), (0, 0)))

    cnt = _count(ei_cnt)
    h, sA, tA, sB = _build(x_p, w0, cnt.T)

    for l, (W, b) in enumerate(((W0, b0), (W1, b1), (W2, b2), (W3, b3))):
        m = _agg(h, pkg)
        b2d = b.reshape(1, EMB)
        if l < DEPTH - 1:
            h = _dense(m, W, b2d, sA, tA, last=False)
        else:
            out = _dense(m, W, b2d, sB, sB, last=True)
    return out

# --- scband reference (transcript-rebuilt; emitter-appended) ---
"""Pipeline reference for scband-gcn-35296041238794 (READ-ONLY COPY).

The authoritative reference and input builder live on the scoring server;
editing this copy changes nothing except your own understanding.
"""

import jax, jax.numpy as jnp
import numpy as np

N = 10000
E = 160000
FEAT = 128
EMB = 256
DEPTH = 4


def setup_inputs(seed: int = 0) -> dict:
    key = jax.random.key(seed)
    ks = jax.random.split(key, 3 + 2 * DEPTH)
    inp = {}
    inp["x"] = jax.random.normal(ks[0], (N, FEAT), dtype=jnp.float32)
    inp["edge_index"] = jax.random.randint(ks[1], (2, E), 0, N, dtype=jnp.int32)
    # learned ntype weight (fills embedding up to EMB since feat size is 128)
    inp["w0"] = jax.random.normal(ks[2], (1, EMB - FEAT), dtype=jnp.float32) * 0.05
    for l in range(DEPTH):
        inp[f"W{l}"] = jax.random.normal(ks[3 + 2 * l], (EMB, EMB), dtype=jnp.float32) * (1.0 / np.sqrt(EMB))
        inp[f"b{l}"] = jnp.zeros((EMB,), dtype=jnp.float32)
    return inp


def _graph_conv(h, src, dst, W, b):
    # DGL GraphConv with norm='both', allow_zero_in_degree=True (degrees clamped to >=1)
    deg_out = jnp.maximum(jnp.bincount(src, length=N).astype(jnp.float32), 1.0)
    deg_in = jnp.maximum(jnp.bincount(dst, length=N).astype(jnp.float32), 1.0)
    norm_out = jnp.power(deg_out, -0.5)
    norm_in = jnpp = jnp.power(deg_in, -0.5)
    h = h * norm_out[:, None]
    # in_feats == out_feats -> aggregate first, then matmul (DGL branch)
    m = jax.ops.segment_sum(jnp.take(h, src, axis=0), dst, num_segments=N)
    rst = m @ W
    rst = rst * norm_in[:, None]
    rst = rst + b
    return jax.nn.relu(rst)


def reference(x, edge_index, w0, W0, b0, W1, b1, W2, b2, W3, b3):
    src = edge_index[0]
    dst = edge_index[1]
    # initial_h: concat(node feat, tiled learned ntype embedding)
    h = jnp.concatenate([x, jnp.tile(w0, (N, 1))], axis=1)
    for W, b in ((W0, b0), (W1, b1), (W2, b2), (W3, b3)):
        h = _graph_conv(h, src, dst, W, b)
    return h

if __name__ == "__main__":
    import jax
    _d = setup_inputs()
    print(jax.jit(kernel)(*tuple(_d.values())))

</pallas_src>

<mosaic_0001>
#map = affine_map<(d0, d1) -> (0, 0, 0, 0)>
#map1 = affine_map<(d0, d1) -> (0, 0)>
module attributes {stable_mosaic.version = 14 : i64} {
  func.func @_count_body(%arg0: i32, %arg1: i32, %arg2: memref<2x16x640x16xi32, #tpu.memory_space<hbm>>, %arg3: memref<2x10240xi32, #tpu.memory_space<hbm>>, %arg4: memref<640x16xi32, #tpu.memory_space<vmem>>, %arg5: memref<10240xi32, #tpu.memory_space<vmem>>, %arg6: memref<16x640xi32, #tpu.memory_space<vmem>>, %arg7: memref<!tpu.dma_semaphore, #tpu.memory_space<semaphore_mem>>, %arg8: memref<16x10240xi32, #tpu.memory_space<vmem_shared>>) attributes {dimension_semantics = [#tpu.dimension_semantics<core_parallel>, #tpu.dimension_semantics<subcore_parallel>], iteration_bounds = array<i64: 2, 16>, scalar_prefetch = 0 : i64, scratch_operands = 5 : i64, tpu.core_type = #tpu.core_type<sc_vector_subcore>, window_params = [{transform_indices = #map}, {transform_indices = #map1}]} {
    "tpu.region"() ({
      %run_scoped3A_79 = tpu.sem_alloc : memref<!tpu.dma_semaphore, #tpu.memory_space<semaphore_mem>>
      %dma_start3A = arith.constant 0 : i32
      %dma_start3A_80 = arith.constant 0 : i32
      %dma_start3A_81 = tpu.memref_slice %arg2[%arg0, %arg1, %dma_start3A, %dma_start3A_80] : memref<2x16x640x16xi32, #tpu.memory_space<hbm>> -> memref<1x1x640x16xi32, #tpu.memory_space<hbm>>
      %dma_start3A_82 = tpu.memref_squeeze %dma_start3A_81 : memref<1x1x640x16xi32, #tpu.memory_space<hbm>> -> memref<640x16xi32, #tpu.memory_space<hbm>>
      %dma_start3A_83 = arith.constant 0 : i32
      %dma_start3A_84 = arith.constant 0 : i32
      %dma_start3A_85 = tpu.memref_slice %arg2[%arg0, %arg1, %dma_start3A_83, %dma_start3A_84] : memref<2x16x640x16xi32, #tpu.memory_space<hbm>> -> memref<1x1x640x16xi32, #tpu.memory_space<hbm>>
      %dma_start3A_86 = tpu.memref_squeeze %dma_start3A_85 : memref<1x1x640x16xi32, #tpu.memory_space<hbm>> -> memref<640x16xi32, #tpu.memory_space<hbm>>
      tpu.enqueue_dma source(%dma_start3A_86 : memref<640x16xi32, #tpu.memory_space<hbm>>) target(%arg4 : memref<640x16xi32, #tpu.memory_space<vmem>>) target_semaphore(%run_scoped3A_79 : memref<!tpu.dma_semaphore, #tpu.memory_space<semaphore_mem>>)
      %dma_wait3A = arith.constant 0 : i32
      %dma_wait3A_87 = arith.constant 0 : i32
      %dma_wait3A_88 = tpu.memref_slice %arg2[%arg0, %arg1, %dma_wait3A, %dma_wait3A_87] : memref<2x16x640x16xi32, #tpu.memory_space<hbm>> -> memref<1x1x640x16xi32, #tpu.memory_space<hbm>>
      %dma_wait3A_89 = tpu.memref_squeeze %dma_wait3A_88 : memref<1x1x640x16xi32, #tpu.memory_space<hbm>> -> memref<640x16xi32, #tpu.memory_space<hbm>>
      %dma_wait3A_90 = arith.constant 0 : i32
      %dma_wait3A_91 = arith.constant 0 : i32
      %dma_wait3A_92 = tpu.memref_slice %arg2[%arg0, %arg1, %dma_wait3A_90, %dma_wait3A_91] : memref<2x16x640x16xi32, #tpu.memory_space<hbm>> -> memref<1x1x640x16xi32, #tpu.memory_space<hbm>>
      %dma_wait3A_93 = tpu.memref_squeeze %dma_wait3A_92 : memref<1x1x640x16xi32, #tpu.memory_space<hbm>> -> memref<640x16xi32, #tpu.memory_space<hbm>>
      tpu.wait_dma2 semaphore(%run_scoped3A_79 : memref<!tpu.dma_semaphore, #tpu.memory_space<semaphore_mem>>) src(%dma_wait3A_93 : memref<640x16xi32, #tpu.memory_space<hbm>>) dst(%arg4 : memref<640x16xi32, #tpu.memory_space<vmem>>)
      tpu.yield
    }) : () -> ()
    %scan3A = arith.constant 0 : i32
    %scan3A_0 = arith.constant 640 : i32
    %scan3A_1 = arith.addi %scan3A, %scan3A_0 : i32
    %scan3A_2 = arith.constant 1 : i32
    scf.for %scan3A_79 = %scan3A to %scan3A_1 step %scan3A_2  : i32 {
      %mul3A_80 = arith.constant 16 : i32
      %mul3A_81 = arith.muli %scan3A_79, %mul3A_80 : i32
      %add3A = arith.constant 0 : i32
      %add3A_82 = arith.addi %add3A, %mul3A_81 : i32
      %broadcast_in_dim3A_83 = arith.constant 0 : i32
      %broadcast_in_dim3A_84 = vector.broadcast %broadcast_in_dim3A_83 : i32 to vector<16xi32>
      %swap3A = arith.index_cast %add3A_82 : i32 to index
      %swap3A_85 = tpu.vector_load %arg5[%swap3A] {strides = array<i32>} : memref<10240xi32, #tpu.memory_space<vmem>>, vector<16xi32>,
      tpu.vector_store %arg5[%swap3A], %broadcast_in_dim3A_84 {strides = array<i32>} : memref<10240xi32, #tpu.memory_space<vmem>>, vector<16xi32>,
    }
    %scan3A_3 = arith.constant 640 : i32
    %broadcast_in_dim3A = arith.constant 1 : i32
    %broadcast_in_dim3A_4 = vector.broadcast %broadcast_in_dim3A : i32 to vector<16xi32>
    %scan3A_5 = arith.constant 0 : i32
    %scan3A_6 = arith.constant 640 : i32
    %scan3A_7 = arith.addi %scan3A_5, %scan3A_6 : i32
    %scan3A_8 = arith.constant 1 : i32
    scf.for %scan3A_79 = %scan3A_5 to %scan3A_7 step %scan3A_8  : i32 {
      %mul3A_80 = arith.constant 1 : i32
      %mul3A_81 = arith.muli %scan3A_79, %mul3A_80 : i32
      %add3A = arith.constant 0 : i32
      %add3A_82 = arith.addi %add3A, %mul3A_81 : i32
      %get3A = arith.index_cast %add3A_82 : i32 to index
      %get3A_83 = arith.constant 0 : index
      %get3A_84 = tpu.vector_load %arg4[%get3A, %get3A_83] {strides = array<i32>} : memref<640x16xi32, #tpu.memory_space<vmem>>, vector<16xi32>,
      tpu.vector_store_idx %arg5[%get3A_84], %broadcast_in_dim3A_4 {add = true} : memref<10240xi32, #tpu.memory_space<vmem>>[vector<16xi32>], vector<16xi32>,
    }
    %scan3A_9 = arith.constant 640 : i32
    "tpu.region"() ({
      %run_scoped3A_79 = tpu.sem_alloc : memref<!tpu.dma_semaphore, #tpu.memory_space<semaphore_mem>>
      %dma_start3A = arith.constant 0 : i32
      %dma_start3A_80 = tpu.memref_slice %arg8[%arg1, %dma_start3A] : memref<16x10240xi32, #tpu.memory_space<vmem_shared>> -> memref<1x10240xi32, #tpu.memory_space<vmem_shared>>
      %dma_start3A_81 = tpu.memref_squeeze %dma_start3A_80 : memref<1x10240xi32, #tpu.memory_space<vmem_shared>> -> memref<10240xi32, #tpu.memory_space<vmem_shared>>
      %dma_start3A_82 = arith.constant 0 : i32
      %dma_start3A_83 = tpu.memref_slice %arg8[%arg1, %dma_start3A_82] : memref<16x10240xi32, #tpu.memory_space<vmem_shared>> -> memref<1x10240xi32, #tpu.memory_space<vmem_shared>>
      %dma_start3A_84 = tpu.memref_squeeze %dma_start3A_83 : memref<1x10240xi32, #tpu.memory_space<vmem_shared>> -> memref<10240xi32, #tpu.memory_space<vmem_shared>>
      tpu.enqueue_dma source(%arg5 : memref<10240xi32, #tpu.memory_space<vmem>>) target(%dma_start3A_84 : memref<10240xi32, #tpu.memory_space<vmem_shared>>) target_semaphore(%run_scoped3A_79 : memref<!tpu.dma_semaphore, #tpu.memory_space<semaphore_mem>>)
      %dma_wait3A = arith.constant 0 : i32
      %dma_wait3A_85 = tpu.memref_slice %arg8[%arg1, %dma_wait3A] : memref<16x10240xi32, #tpu.memory_space<vmem_shared>> -> memref<1x10240xi32, #tpu.memory_space<vmem_shared>>
      %dma_wait3A_86 = tpu.memref_squeeze %dma_wait3A_85 : memref<1x10240xi32, #tpu.memory_space<vmem_shared>> -> memref<10240xi32, #tpu.memory_space<vmem_shared>>
      %dma_wait3A_87 = arith.constant 0 : i32
      %dma_wait3A_88 = tpu.memref_slice %arg8[%arg1, %dma_wait3A_87] : memref<16x10240xi32, #tpu.memory_space<vmem_shared>> -> memref<1x10240xi32, #tpu.memory_space<vmem_shared>>
      %dma_wait3A_89 = tpu.memref_squeeze %dma_wait3A_88 : memref<1x10240xi32, #tpu.memory_space<vmem_shared>> -> memref<10240xi32, #tpu.memory_space<vmem_shared>>
      tpu.wait_dma2 semaphore(%run_scoped3A_79 : memref<!tpu.dma_semaphore, #tpu.memory_space<semaphore_mem>>) src(%arg5 : memref<10240xi32, #tpu.memory_space<vmem>>) dst(%dma_wait3A_89 : memref<10240xi32, #tpu.memory_space<vmem_shared>>)
      tpu.yield
    }) : () -> ()
    %barrier3A = arith.constant 0 : index
    tpu.barrier barrier_id(%barrier3A)
    %mul3A = arith.constant 640 : i32
    %mul3A_10 = arith.muli %arg1, %mul3A : i32
    %run_scoped3A = arith.constant 0 : i32
    %run_scoped3A_11 = arith.constant 0 : i32
    "tpu.region"() ({
      %run_scoped3A_79 = tpu.sem_alloc : memref<!tpu.dma_semaphore, #tpu.memory_space<semaphore_mem>>
      %dma_start3A = arith.constant 0 : i32
      %dma_start3A_80 = tpu.memref_slice %arg6[%run_scoped3A_11, %dma_start3A] : memref<16x640xi32, #tpu.memory_space<vmem>> -> memref<1x640xi32, #tpu.memory_space<vmem>>
      %dma_start3A_81 = tpu.memref_squeeze %dma_start3A_80 : memref<1x640xi32, #tpu.memory_space<vmem>> -> memref<640xi32, #tpu.memory_space<vmem>>
      %dma_start3A_82 = tpu.memref_slice %arg8[%run_scoped3A, %mul3A_10] : memref<16x10240xi32, #tpu.memory_space<vmem_shared>> -> memref<1x640xi32, #tpu.memory_space<vmem_shared>>
      %dma_start3A_83 = tpu.memref_squeeze %dma_start3A_82 : memref<1x640xi32, #tpu.memory_space<vmem_shared>> -> memref<640xi32, #tpu.memory_space<vmem_shared>>
      %dma_start3A_84 = arith.constant 0 : i32
      %dma_start3A_85 = tpu.memref_slice %arg6[%run_scoped3A_11, %dma_start3A_84] : memref<16x640xi32, #tpu.memory_space<vmem>> -> memref<1x640xi32, #tpu.memory_space<vmem>>
      %dma_start3A_86 = tpu.memref_squeeze %dma_start3A_85 : memref<1x640xi32, #tpu.memory_space<vmem>> -> memref<640xi32, #tpu.memory_space<vmem>>
      %dma_start3A_87 = tpu.memref_slice %arg8[%run_scoped3A, %mul3A_10] : memref<16x10240xi32, #tpu.memory_space<vmem_shared>> -> memref<1x640xi32, #tpu.memory_space<vmem_shared>>
      %dma_start3A_88 = tpu.memref_squeeze %dma_start3A_87 : memref<1x640xi32, #tpu.memory_space<vmem_shared>> -> memref<640xi32, #tpu.memory_space<vmem_shared>>
      tpu.enqueue_dma source(%dma_start3A_88 : memref<640xi32, #tpu.memory_space<vmem_shared>>) target(%dma_start3A_86 : memref<640xi32, #tpu.memory_space<vmem>>) target_semaphore(%run_scoped3A_79 : memref<!tpu.dma_semaphore, #tpu.memory_space<semaphore_mem>>)
      %dma_wait3A = arith.constant 0 : i32
      %dma_wait3A_89 = tpu.memref_slice %arg6[%run_scoped3A_11, %dma_wait3A] : memref<16x640xi32, #tpu.memory_space<vmem>> -> memref<1x640xi32, #tpu.memory_space<vmem>>
      %dma_wait3A_90 = tpu.memref_squeeze %dma_wait3A_89 : memref<1x640xi32, #tpu.memory_space<vmem>> -> memref<640xi32, #tpu.memory_space<vmem>>
      %dma_wait3A_91 = tpu.memref_slice %arg8[%run_scoped3A, %mul3A_10] : memref<16x10240xi32, #tpu.memory_space<vmem_shared>> -> memref<1x640xi32, #tpu.memory_space<vmem_shared>>
      %dma_wait3A_92 = tpu.memref_squeeze %dma_wait3A_91 : memref<1x640xi32, #tpu.memory_space<vmem_shared>> -> memref<640xi32, #tpu.memory_space<vmem_shared>>
      %dma_wait3A_93 = arith.constant 0 : i32
      %dma_wait3A_94 = tpu.memref_slice %arg6[%run_scoped3A_11, %dma_wait3A_93] : memref<16x640xi32, #tpu.memory_space<vmem>> -> memref<1x640xi32, #tpu.memory_space<vmem>>
      %dma_wait3A_95 = tpu.memref_squeeze %dma_wait3A_94 : memref<1x640xi32, #tpu.memory_space<vmem>> -> memref<640xi32, #tpu.memory_space<vmem>>
      %dma_wait3A_96 = tpu.memref_slice %arg8[%run_scoped3A, %mul3A_10] : memref<16x10240xi32, #tpu.memory_space<vmem_shared>> -> memref<1x640xi32, #tpu.memory_space<vmem_shared>>
      %dma_wait3A_97 = tpu.memref_squeeze %dma_wait3A_96 : memref<1x640xi32, #tpu.memory_space<vmem_shared>> -> memref<640xi32, #tpu.memory_space<vmem_shared>>
      tpu.wait_dma2 semaphore(%run_scoped3A_79 : memref<!tpu.dma_semaphore, #tpu.memory_space<semaphore_mem>>) src(%dma_wait3A_97 : memref<640xi32, #tpu.memory_space<vmem_shared>>) dst(%dma_wait3A_95 : memref<640xi32, #tpu.memory_space<vmem>>)
      tpu.yield
    }) : () -> ()
    %mul3A_12 = arith.constant 640 : i32
    %mul3A_13 = arith.muli %arg1, %mul3A_12 : i32
    %run_scoped3A_14 = arith.constant 1 : i32
    %run_scoped3A_15 = arith.constant 1 : i32
    "tpu.region"() ({
      %run_scoped3A_79 = tpu.sem_alloc : memref<!tpu.dma_semaphore, #tpu.memory_space<semaphore_mem>>
      %dma_start3A = arith.constant 0 : i32
      %dma_start3A_80 = tpu.memref_slice %arg6[%run_scoped3A_15, %dma_start3A] : memref<16x640xi32, #tpu.memory_space<vmem>> -> memref<1x640xi32, #tpu.memory_space<vmem>>
      %dma_start3A_81 = tpu.memref_squeeze %dma_start3A_80 : memref<1x640xi32, #tpu.memory_space<vmem>> -> memref<640xi32, #tpu.memory_space<vmem>>
      %dma_start3A_82 = tpu.memref_slice %arg8[%run_scoped3A_14, %mul3A_13] : memref<16x10240xi32, #tpu.memory_space<vmem_shared>> -> memref<1x640xi32, #tpu.memory_space<vmem_shared>>
      %dma_start3A_83 = tpu.memref_squeeze %dma_start3A_82 : memref<1x640xi32, #tpu.memory_space<vmem_shared>> -> memref<640xi32, #tpu.memory_space<vmem_shared>>
      %dma_start3A_84 = arith.constant 0 : i32
      %dma_start3A_85 = tpu.memref_slice %arg6[%run_scoped3A_15, %dma_start3A_84] : memref<16x640xi32, #tpu.memory_space<vmem>> -> memref<1x640xi32, #tpu.memory_space<vmem>>
      %dma_start3A_86 = tpu.memref_squeeze %dma_start3A_85 : memref<1x640xi32, #tpu.memory_space<vmem>> -> memref<640xi32, #tpu.memory_space<vmem>>
      %dma_start3A_87 = tpu.memref_slice %arg8[%run_scoped3A_14, %mul3A_13] : memref<16x10240xi32, #tpu.memory_space<vmem_shared>> -> memref<1x640xi32, #tpu.memory_space<vmem_shared>>
      %dma_start3A_88 = tpu.memref_squeeze %dma_start3A_87 : memref<1x640xi32, #tpu.memory_space<vmem_shared>> -> memref<640xi32, #tpu.memory_space<vmem_shared>>
      tpu.enqueue_dma source(%dma_start3A_88 : memref<640xi32, #tpu.memory_space<vmem_shared>>) target(%dma_start3A_86 : memref<640xi32, #tpu.memory_space<vmem>>) target_semaphore(%run_scoped3A_79 : memref<!tpu.dma_semaphore, #tpu.memory_space<semaphore_mem>>)
      %dma_wait3A = arith.constant 0 : i32
      %dma_wait3A_89 = tpu.memref_slice %arg6[%run_scoped3A_15, %dma_wait3A] : memref<16x640xi32, #tpu.memory_space<vmem>> -> memref<1x640xi32, #tpu.memory_space<vmem>>
      %dma_wait3A_90 = tpu.memref_squeeze %dma_wait3A_89 : memref<1x640xi32, #tpu.memory_space<vmem>> -> memref<640xi32, #tpu.memory_space<vmem>>
      %dma_wait3A_91 = tpu.memref_slice %arg8[%run_scoped3A_14, %mul3A_13] : memref<16x10240xi32, #tpu.memory_space<vmem_shared>> -> memref<1x640xi32, #tpu.memory_space<vmem_shared>>
      %dma_wait3A_92 = tpu.memref_squeeze %dma_wait3A_91 : memref<1x640xi32, #tpu.memory_space<vmem_shared>> -> memref<640xi32, #tpu.memory_space<vmem_shared>>
      %dma_wait3A_93 = arith.constant 0 : i32
      %dma_wait3A_94 = tpu.memref_slice %arg6[%run_scoped3A_15, %dma_wait3A_93] : memref<16x640xi32, #tpu.memory_space<vmem>> -> memref<1x640xi32, #tpu.memory_space<vmem>>
      %dma_wait3A_95 = tpu.memref_squeeze %dma_wait3A_94 : memref<1x640xi32, #tpu.memory_space<vmem>> -> memref<640xi32, #tpu.memory_space<vmem>>
      %dma_wait3A_96 = tpu.memref_slice %arg8[%run_scoped3A_14, %mul3A_13] : memref<16x10240xi32, #tpu.memory_space<vmem_shared>> -> memref<1x640xi32, #tpu.memory_space<vmem_shared>>
      %dma_wait3A_97 = tpu.memref_squeeze %dma_wait3A_96 : memref<1x640xi32, #tpu.memory_space<vmem_shared>> -> memref<640xi32, #tpu.memory_space<vmem_shared>>
      tpu.wait_dma2 semaphore(%run_scoped3A_79 : memref<!tpu.dma_semaphore, #tpu.memory_space<semaphore_mem>>) src(%dma_wait3A_97 : memref<640xi32, #tpu.memory_space<vmem_shared>>) dst(%dma_wait3A_95 : memref<640xi32, #tpu.memory_space<vmem>>)
      tpu.yield
    }) : () -> ()
    %mul3A_16 = arith.constant 640 : i32
    %mul3A_17 = arith.muli %arg1, %mul3A_16 : i32
    %run_scoped3A_18 = arith.constant 2 : i32
    %run_scoped3A_19 = arith.constant 2 : i32
    "tpu.region"() ({
      %run_scoped3A_79 = tpu.sem_alloc : memref<!tpu.dma_semaphore, #tpu.memory_space<semaphore_mem>>
      %dma_start3A = arith.constant 0 : i32
      %dma_start3A_80 = tpu.memref_slice %arg6[%run_scoped3A_19, %dma_start3A] : memref<16x640xi32, #tpu.memory_space<vmem>> -> memref<1x640xi32, #tpu.memory_space<vmem>>
      %dma_start3A_81 = tpu.memref_squeeze %dma_start3A_80 : memref<1x640xi32, #tpu.memory_space<vmem>> -> memref<640xi32, #tpu.memory_space<vmem>>
      %dma_start3A_82 = tpu.memref_slice %arg8[%run_scoped3A_18, %mul3A_17] : memref<16x10240xi32, #tpu.memory_space<vmem_shared>> -> memref<1x640xi32, #tpu.memory_space<vmem_shared>>
      %dma_start3A_83 = tpu.memref_squeeze %dma_start3A_82 : memref<1x640xi32, #tpu.memory_space<vmem_shared>> -> memref<640xi32, #tpu.memory_space<vmem_shared>>
      %dma_start3A_84 = arith.constant 0 : i32
      %dma_start3A_85 = tpu.memref_slice %arg6[%run_scoped3A_19, %dma_start3A_84] : memref<16x640xi32, #tpu.memory_space<vmem>> -> memref<1x640xi32, #tpu.memory_space<vmem>>
      %dma_start3A_86 = tpu.memref_squeeze %dma_start3A_85 : memref<1x640xi32, #tpu.memory_space<vmem>> -> memref<640xi32, #tpu.memory_space<vmem>>
      %dma_start3A_87 = tpu.memref_slice %arg8[%run_scoped3A_18, %mul3A_17] : memref<16x10240xi32, #tpu.memory_space<vmem_shared>> -> memref<1x640xi32, #tpu.memory_space<vmem_shared>>
      %dma_start3A_88 = tpu.memref_squeeze %dma_start3A_87 : memref<1x640xi32, #tpu.memory_space<vmem_shared>> -> memref<640xi32, #tpu.memory_space<vmem_shared>>
      tpu.enqueue_dma source(%dma_start3A_88 : memref<640xi32, #tpu.memory_space<vmem_shared>>) target(%dma_start3A_86 : memref<640xi32, #tpu.memory_space<vmem>>) target_semaphore(%run_scoped3A_79 : memref<!tpu.dma_semaphore, #tpu.memory_space<semaphore_mem>>)
      %dma_wait3A = arith.constant 0 : i32
      %dma_wait3A_89 = tpu.memref_slice %arg6[%run_scoped3A_19, %dma_wait3A] : memref<16x640xi32, #tpu.memory_space<vmem>> -> memref<1x640xi32, #tpu.memory_space<vmem>>
      %dma_wait3A_90 = tpu.memref_squeeze %dma_wait3A_89 : memref<1x640xi32, #tpu.memory_space<vmem>> -> memref<640xi32, #tpu.memory_space<vmem>>
      %dma_wait3A_91 = tpu.memref_slice %arg8[%run_scoped3A_18, %mul3A_17] : memref<16x10240xi32, #tpu.memory_space<vmem_shared>> -> memref<1x640xi32, #tpu.memory_space<vmem_shared>>
      %dma_wait3A_92 = tpu.memref_squeeze %dma_wait3A_91 : memref<1x640xi32, #tpu.memory_space<vmem_shared>> -> memref<640xi32, #tpu.memory_space<vmem_shared>>
      %dma_wait3A_93 = arith.constant 0 : i32
      %dma_wait3A_94 = tpu.memref_slice %arg6[%run_scoped3A_19, %dma_wait3A_93] : memref<16x640xi32, #tpu.memory_space<vmem>> -> memref<1x640xi32, #tpu.memory_space<vmem>>
      %dma_wait3A_95 = tpu.memref_squeeze %dma_wait3A_94 : memref<1x640xi32, #tpu.memory_space<vmem>> -> memref<640xi32, #tpu.memory_space<vmem>>
      %dma_wait3A_96 = tpu.memref_slice %arg8[%run_scoped3A_18, %mul3A_17] : memref<16x10240xi32, #tpu.memory_space<vmem_shared>> -> memref<1x640xi32, #tpu.memory_space<vmem_shared>>
      %dma_wait3A_97 = tpu.memref_squeeze %dma_wait3A_96 : memref<1x640xi32, #tpu.memory_space<vmem_shared>> -> memref<640xi32, #tpu.memory_space<vmem_shared>>
      tpu.wait_dma2 semaphore(%run_scoped3A_79 : memref<!tpu.dma_semaphore, #tpu.memory_space<semaphore_mem>>) src(%dma_wait3A_97 : memref<640xi32, #tpu.memory_space<vmem_shared>>) dst(%dma_wait3A_95 : memref<640xi32, #tpu.memory_space<vmem>>)
      tpu.yield
    }) : () -> ()
    %mul3A_20 = arith.constant 640 : i32
    %mul3A_21 = arith.muli %arg1, %mul3A_20 : i32
    %run_scoped3A_22 = arith.constant 3 : i32
    %run_scoped3A_23 = arith.constant 3 : i32
    "tpu.region"() ({
      %run_scoped3A_79 = tpu.sem_alloc : memref<!tpu.dma_semaphore, #tpu.memory_space<semaphore_mem>>
      %dma_start3A = arith.constant 0 : i32
      %dma_start3A_80 = tpu.memref_slice %arg6[%run_scoped3A_23, %dma_start3A] : memref<16x640xi32, #tpu.memory_space<vmem>> -> memref<1x640xi32, #tpu.memory_space<vmem>>
      %dma_start3A_81 = tpu.memref_squeeze %dma_start3A_80 : memref<1x640xi32, #tpu.memory_space<vmem>> -> memref<640xi32, #tpu.memory_space<vmem>>
      %dma_start3A_82 = tpu.memref_slice %arg8[%run_scoped3A_22, %mul3A_21] : memref<16x10240xi32, #tpu.memory_space<vmem_shared>> -> memref<1x640xi32, #tpu.memory_space<vmem_shared>>
      %dma_start3A_83 = tpu.memref_squeeze %dma_start3A_82 : memref<1x640xi32, #tpu.memory_space<vmem_shared>> -> memref<640xi32, #tpu.memory_space<vmem_shared>>
      %dma_start3A_84 = arith.constant 0 : i32
      %dma_start3A_85 = tpu.memref_slice %arg6[%run_scoped3A_23, %dma_start3A_84] : memref<16x640xi32, #tpu.memory_space<vmem>> -> memref<1x640xi32, #tpu.memory_space<vmem>>
      %dma_start3A_86 = tpu.memref_squeeze %dma_start3A_85 : memref<1x640xi32, #tpu.memory_space<vmem>> -> memref<640xi32, #tpu.memory_space<vmem>>
      %dma_start3A_87 = tpu.memref_slice %arg8[%run_scoped3A_22, %mul3A_21] : memref<16x10240xi32, #tpu.memory_space<vmem_shared>> -> memref<1x640xi32, #tpu.memory_space<vmem_shared>>
      %dma_start3A_88 = tpu.memref_squeeze %dma_start3A_87 : memref<1x640xi32, #tpu.memory_space<vmem_shared>> -> memref<640xi32, #tpu.memory_space<vmem_shared>>
      tpu.enqueue_dma source(%dma_start3A_88 : memref<640xi32, #tpu.memory_space<vmem_shared>>) target(%dma_start3A_86 : memref<640xi32, #tpu.memory_space<vmem>>) target_semaphore(%run_scoped3A_79 : memref<!tpu.dma_semaphore, #tpu.memory_space<semaphore_mem>>)
      %dma_wait3A = arith.constant 0 : i32
      %dma_wait3A_89 = tpu.memref_slice %arg6[%run_scoped3A_23, %dma_wait3A] : memref<16x640xi32, #tpu.memory_space<vmem>> -> memref<1x640xi32, #tpu.memory_space<vmem>>
      %dma_wait3A_90 = tpu.memref_squeeze %dma_wait3A_89 : memref<1x640xi32, #tpu.memory_space<vmem>> -> memref<640xi32, #tpu.memory_space<vmem>>
      %dma_wait3A_91 = tpu.memref_slice %arg8[%run_scoped3A_22, %mul3A_21] : memref<16x10240xi32, #tpu.memory_space<vmem_shared>> -> memref<1x640xi32, #tpu.memory_space<vmem_shared>>
      %dma_wait3A_92 = tpu.memref_squeeze %dma_wait3A_91 : memref<1x640xi32, #tpu.memory_space<vmem_shared>> -> memref<640xi32, #tpu.memory_space<vmem_shared>>
      %dma_wait3A_93 = arith.constant 0 : i32
      %dma_wait3A_94 = tpu.memref_slice %arg6[%run_scoped3A_23, %dma_wait3A_93] : memref<16x640xi32, #tpu.memory_space<vmem>> -> memref<1x640xi32, #tpu.memory_space<vmem>>
      %dma_wait3A_95 = tpu.memref_squeeze %dma_wait3A_94 : memref<1x640xi32, #tpu.memory_space<vmem>> -> memref<640xi32, #tpu.memory_space<vmem>>
      %dma_wait3A_96 = tpu.memref_slice %arg8[%run_scoped3A_22, %mul3A_21] : memref<16x10240xi32, #tpu.memory_space<vmem_shared>> -> memref<1x640xi32, #tpu.memory_space<vmem_shared>>
      %dma_wait3A_97 = tpu.memref_squeeze %dma_wait3A_96 : memref<1x640xi32, #tpu.memory_space<vmem_shared>> -> memref<640xi32, #tpu.memory_space<vmem_shared>>
      tpu.wait_dma2 semaphore(%run_scoped3A_79 : memref<!tpu.dma_semaphore, #tpu.memory_space<semaphore_mem>>) src(%dma_wait3A_97 : memref<640xi32, #tpu.memory_space<vmem_shared>>) dst(%dma_wait3A_95 : memref<640xi32, #tpu.memory_space<vmem>>)
      tpu.yield
    }) : () -> ()
    %mul3A_24 = arith.constant 640 : i32
    %mul3A_25 = arith.muli %arg1, %mul3A_24 : i32
    %run_scoped3A_26 = arith.constant 4 : i32
    %run_scoped3A_27 = arith.constant 4 : i32
    "tpu.region"() ({
      %run_scoped3A_79 = tpu.sem_alloc : memref<!tpu.dma_semaphore, #tpu.memory_space<semaphore_mem>>
      %dma_start3A = arith.constant 0 : i32
      %dma_start3A_80 = tpu.memref_slice %arg6[%run_scoped3A_27, %dma_start3A] : memref<16x640xi32, #tpu.memory_space<vmem>> -> memref<1x640xi32, #tpu.memory_space<vmem>>
      %dma_start3A_81 = tpu.memref_squeeze %dma_start3A_80 : memref<1x640xi32, #tpu.memory_space<vmem>> -> memref<640xi32, #tpu.memory_space<vmem>>
      %dma_start3A_82 = tpu.memref_slice %arg8[%run_scoped3A_26, %mul3A_25] : memref<16x10240xi32, #tpu.memory_space<vmem_shared>> -> memref<1x640xi32, #tpu.memory_space<vmem_shared>>
      %dma_start3A_83 = tpu.memref_squeeze %dma_start3A_82 : memref<1x640xi32, #tpu.memory_space<vmem_shared>> -> memref<640xi32, #tpu.memory_space<vmem_shared>>
      %dma_start3A_84 = arith.constant 0 : i32
      %dma_start3A_85 = tpu.memref_slice %arg6[%run_scoped3A_27, %dma_start3A_84] : memref<16x640xi32, #tpu.memory_space<vmem>> -> memref<1x640xi32, #tpu.memory_space<vmem>>
      %dma_start3A_86 = tpu.memref_squeeze %dma_start3A_85 : memref<1x640xi32, #tpu.memory_space<vmem>> -> memref<640xi32, #tpu.memory_space<vmem>>
      %dma_start3A_87 = tpu.memref_slice %arg8[%run_scoped3A_26, %mul3A_25] : memref<16x10240xi32, #tpu.memory_space<vmem_shared>> -> memref<1x640xi32, #tpu.memory_space<vmem_shared>>
      %dma_start3A_88 = tpu.memref_squeeze %dma_start3A_87 : memref<1x640xi32, #tpu.memory_space<vmem_shared>> -> memref<640xi32, #tpu.memory_space<vmem_shared>>
      tpu.enqueue_dma source(%dma_start3A_88 : memref<640xi32, #tpu.memory_space<vmem_shared>>) target(%dma_start3A_86 : memref<640xi32, #tpu.memory_space<vmem>>) target_semaphore(%run_scoped3A_79 : memref<!tpu.dma_semaphore, #tpu.memory_space<semaphore_mem>>)
      %dma_wait3A = arith.constant 0 : i32
      %dma_wait3A_89 = tpu.memref_slice %arg6[%run_scoped3A_27, %dma_wait3A] : memref<16x640xi32, #tpu.memory_space<vmem>> -> memref<1x640xi32, #tpu.memory_space<vmem>>
      %dma_wait3A_90 = tpu.memref_squeeze %dma_wait3A_89 : memref<1x640xi32, #tpu.memory_space<vmem>> -> memref<640xi32, #tpu.memory_space<vmem>>
      %dma_wait3A_91 = tpu.memref_slice %arg8[%run_scoped3A_26, %mul3A_25] : memref<16x10240xi32, #tpu.memory_space<vmem_shared>> -> memref<1x640xi32, #tpu.memory_space<vmem_shared>>
      %dma_wait3A_92 = tpu.memref_squeeze %dma_wait3A_91 : memref<1x640xi32, #tpu.memory_space<vmem_shared>> -> memref<640xi32, #tpu.memory_space<vmem_shared>>
      %dma_wait3A_93 = arith.constant 0 : i32
      %dma_wait3A_94 = tpu.memref_slice %arg6[%run_scoped3A_27, %dma_wait3A_93] : memref<16x640xi32, #tpu.memory_space<vmem>> -> memref<1x640xi32, #tpu.memory_space<vmem>>
      %dma_wait3A_95 = tpu.memref_squeeze %dma_wait3A_94 : memref<1x640xi32, #tpu.memory_space<vmem>> -> memref<640xi32, #tpu.memory_space<vmem>>
      %dma_wait3A_96 = tpu.memref_slice %arg8[%run_scoped3A_26, %mul3A_25] : memref<16x10240xi32, #tpu.memory_space<vmem_shared>> -> memref<1x640xi32, #tpu.memory_space<vmem_shared>>
      %dma_wait3A_97 = tpu.memref_squeeze %dma_wait3A_96 : memref<1x640xi32, #tpu.memory_space<vmem_shared>> -> memref<640xi32, #tpu.memory_space<vmem_shared>>
      tpu.wait_dma2 semaphore(%run_scoped3A_79 : memref<!tpu.dma_semaphore, #tpu.memory_space<semaphore_mem>>) src(%dma_wait3A_97 : memref<640xi32, #tpu.memory_space<vmem_shared>>) dst(%dma_wait3A_95 : memref<640xi32, #tpu.memory_space<vmem>>)
      tpu.yield
    }) : () -> ()
    %mul3A_28 = arith.constant 640 : i32
    %mul3A_29 = arith.muli %arg1, %mul3A_28 : i32
    %run_scoped3A_30 = arith.constant 5 : i32
    %run_scoped3A_31 = arith.constant 5 : i32
    "tpu.region"() ({
      %run_scoped3A_79 = tpu.sem_alloc : memref<!tpu.dma_semaphore, #tpu.memory_space<semaphore_mem>>
      %dma_start3A = arith.constant 0 : i32
      %dma_start3A_80 = tpu.memref_slice %arg6[%run_scoped3A_31, %dma_start3A] : memref<16x640xi32, #tpu.memory_space<vmem>> -> memref<1x640xi32, #tpu.memory_space<vmem>>
      %dma_start3A_81 = tpu.memref_squeeze %dma_start3A_80 : memref<1x640xi32, #tpu.memory_space<vmem>> -> memref<640xi32, #tpu.memory_space<vmem>>
      %dma_start3A_82 = tpu.memref_slice %arg8[%run_scoped3A_30, %mul3A_29] : memref<16x10240xi32, #tpu.memory_space<vmem_shared>> -> memref<1x640xi32, #tpu.memory_space<vmem_shared>>
      %dma_start3A_83 = tpu.memref_squeeze %dma_start3A_82 : memref<1x640xi32, #tpu.memory_space<vmem_shared>> -> memref<640xi32, #tpu.memory_space<vmem_shared>>
      %dma_start3A_84 = arith.constant 0 : i32
      %dma_start3A_85 = tpu.memref_slice %arg6[%run_scoped3A_31, %dma_start3A_84] : memref<16x640xi32, #tpu.memory_space<vmem>> -> memref<1x640xi32, #tpu.memory_space<vmem>>
      %dma_start3A_86 = tpu.memref_squeeze %dma_start3A_85 : memref<1x640xi32, #tpu.memory_space<vmem>> -> memref<640xi32, #tpu.memory_space<vmem>>
      %dma_start3A_87 = tpu.memref_slice %arg8[%run_scoped3A_30, %mul3A_29] : memref<16x10240xi32, #tpu.memory_space<vmem_shared>> -> memref<1x640xi32, #tpu.memory_space<vmem_shared>>
      %dma_start3A_88 = tpu.memref_squeeze %dma_start3A_87 : memref<1x640xi32, #tpu.memory_space<vmem_shared>> -> memref<640xi32, #tpu.memory_space<vmem_shared>>
      tpu.enqueue_dma source(%dma_start3A_88 : memref<640xi32, #tpu.memory_space<vmem_shared>>) target(%dma_start3A_86 : memref<640xi32, #tpu.memory_space<vmem>>) target_semaphore(%run_scoped3A_79 : memref<!tpu.dma_semaphore, #tpu.memory_space<semaphore_mem>>)
      %dma_wait3A = arith.constant 0 : i32
      %dma_wait3A_89 = tpu.memref_slice %arg6[%run_scoped3A_31, %dma_wait3A] : memref<16x640xi32, #tpu.memory_space<vmem>> -> memref<1x640xi32, #tpu.memory_space<vmem>>
      %dma_wait3A_90 = tpu.memref_squeeze %dma_wait3A_89 : memref<1x640xi32, #tpu.memory_space<vmem>> -> memref<640xi32, #tpu.memory_space<vmem>>
      %dma_wait3A_91 = tpu.memref_slice %arg8[%run_scoped3A_30, %mul3A_29] : memref<16x10240xi32, #tpu.memory_space<vmem_shared>> -> memref<1x640xi32, #tpu.memory_space<vmem_shared>>
      %dma_wait3A_92 = tpu.memref_squeeze %dma_wait3A_91 : memref<1x640xi32, #tpu.memory_space<vmem_shared>> -> memref<640xi32, #tpu.memory_space<vmem_shared>>
      %dma_wait3A_93 = arith.constant 0 : i32
      %dma_wait3A_94 = tpu.memref_slice %arg6[%run_scoped3A_31, %dma_wait3A_93] : memref<16x640xi32, #tpu.memory_space<vmem>> -> memref<1x640xi32, #tpu.memory_space<vmem>>
      %dma_wait3A_95 = tpu.memref_squeeze %dma_wait3A_94 : memref<1x640xi32, #tpu.memory_space<vmem>> -> memref<640xi32, #tpu.memory_space<vmem>>
      %dma_wait3A_96 = tpu.memref_slice %arg8[%run_scoped3A_30, %mul3A_29] : memref<16x10240xi32, #tpu.memory_space<vmem_shared>> -> memref<1x640xi32, #tpu.memory_space<vmem_shared>>
      %dma_wait3A_97 = tpu.memref_squeeze %dma_wait3A_96 : memref<1x640xi32, #tpu.memory_space<vmem_shared>> -> memref<640xi32, #tpu.memory_space<vmem_shared>>
      tpu.wait_dma2 semaphore(%run_scoped3A_79 : memref<!tpu.dma_semaphore, #tpu.memory_space<semaphore_mem>>) src(%dma_wait3A_97 : memref<640xi32, #tpu.memory_space<vmem_shared>>) dst(%dma_wait3A_95 : memref<640xi32, #tpu.memory_space<vmem>>)
      tpu.yield
    }) : () -> ()
    %mul3A_32 = arith.constant 640 : i32
    %mul3A_33 = arith.muli %arg1, %mul3A_32 : i32
    %run_scoped3A_34 = arith.constant 6 : i32
    %run_scoped3A_35 = arith.constant 6 : i32
    "tpu.region"() ({
      %run_scoped3A_79 = tpu.sem_alloc : memref<!tpu.dma_semaphore, #tpu.memory_space<semaphore_mem>>
      %dma_start3A = arith.constant 0 : i32
      %dma_start3A_80 = tpu.memref_slice %arg6[%run_scoped3A_35, %dma_start3A] : memref<16x640xi32, #tpu.memory_space<vmem>> -> memref<1x640xi32, #tpu.memory_space<vmem>>
      %dma_start3A_81 = tpu.memref_squeeze %dma_start3A_80 : memref<1x640xi32, #tpu.memory_space<vmem>> -> memref<640xi32, #tpu.memory_space<vmem>>
      %dma_start3A_82 = tpu.memref_slice %arg8[%run_scoped3A_34, %mul3A_33] : memref<16x10240xi32, #tpu.memory_space<vmem_shared>> -> memref<1x640xi32, #tpu.memory_space<vmem_shared>>
      %dma_start3A_83 = tpu.memref_squeeze %dma_start3A_82 : memref<1x640xi32, #tpu.memory_space<vmem_shared>> -> memref<640xi32, #tpu.memory_space<vmem_shared>>
      %dma_start3A_84 = arith.constant 0 : i32
      %dma_start3A_85 = tpu.memref_slice %arg6[%run_scoped3A_35, %dma_start3A_84] : memref<16x640xi32, #tpu.memory_space<vmem>> -> memref<1x640xi32, #tpu.memory_space<vmem>>
      %dma_start3A_86 = tpu.memref_squeeze %dma_start3A_85 : memref<1x640xi32, #tpu.memory_space<vmem>> -> memref<640xi32, #tpu.memory_space<vmem>>
      %dma_start3A_87 = tpu.memref_slice %arg8[%run_scoped3A_34, %mul3A_33] : memref<16x10240xi32, #tpu.memory_space<vmem_shared>> -> memref<1x640xi32, #tpu.memory_space<vmem_shared>>
      %dma_start3A_88 = tpu.memref_squeeze %dma_start3A_87 : memref<1x640xi32, #tpu.memory_space<vmem_shared>> -> memref<640xi32, #tpu.memory_space<vmem_shared>>
      tpu.enqueue_dma source(%dma_start3A_88 : memref<640xi32, #tpu.memory_space<vmem_shared>>) target(%dma_start3A_86 : memref<640xi32, #tpu.memory_space<vmem>>) target_semaphore(%run_scoped3A_79 : memref<!tpu.dma_semaphore, #tpu.memory_space<semaphore_mem>>)
      %dma_wait3A = arith.constant 0 : i32
      %dma_wait3A_89 = tpu.memref_slice %arg6[%run_scoped3A_35, %dma_wait3A] : memref<16x640xi32, #tpu.memory_space<vmem>> -> memref<1x640xi32, #tpu.memory_space<vmem>>
      %dma_wait3A_90 = tpu.memref_squeeze %dma_wait3A_89 : memref<1x640xi32, #tpu.memory_space<vmem>> -> memref<640xi32, #tpu.memory_space<vmem>>
      %dma_wait3A_91 = tpu.memref_slice %arg8[%run_scoped3A_34, %mul3A_33] : memref<16x10240xi32, #tpu.memory_space<vmem_shared>> -> memref<1x640xi32, #tpu.memory_space<vmem_shared>>
      %dma_wait3A_92 = tpu.memref_squeeze %dma_wait3A_91 : memref<1x640xi32, #tpu.memory_space<vmem_shared>> -> memref<640xi32, #tpu.memory_space<vmem_shared>>
      %dma_wait3A_93 = arith.constant 0 : i32
      %dma_wait3A_94 = tpu.memref_slice %arg6[%run_scoped3A_35, %dma_wait3A_93] : memref<16x640xi32, #tpu.memory_space<vmem>> -> memref<1x640xi32, #tpu.memory_space<vmem>>
      %dma_wait3A_95 = tpu.memref_squeeze %dma_wait3A_94 : memref<1x640xi32, #tpu.memory_space<vmem>> -> memref<640xi32, #tpu.memory_space<vmem>>
      %dma_wait3A_96 = tpu.memref_slice %arg8[%run_scoped3A_34, %mul3A_33] : memref<16x10240xi32, #tpu.memory_space<vmem_shared>> -> memref<1x640xi32, #tpu.memory_space<vmem_shared>>
      %dma_wait3A_97 = tpu.memref_squeeze %dma_wait3A_96 : memref<1x640xi32, #tpu.memory_space<vmem_shared>> -> memref<640xi32, #tpu.memory_space<vmem_shared>>
      tpu.wait_dma2 semaphore(%run_scoped3A_79 : memref<!tpu.dma_semaphore, #tpu.memory_space<semaphore_mem>>) src(%dma_wait3A_97 : memref<640xi32, #tpu.memory_space<vmem_shared>>) dst(%dma_wait3A_95 : memref<640xi32, #tpu.memory_space<vmem>>)
      tpu.yield
    }) : () -> ()
    %mul3A_36 = arith.constant 640 : i32
    %mul3A_37 = arith.muli %arg1, %mul3A_36 : i32
    %run_scoped3A_38 = arith.constant 7 : i32
    %run_scoped3A_39 = arith.constant 7 : i32
    "tpu.region"() ({
      %run_scoped3A_79 = tpu.sem_alloc : memref<!tpu.dma_semaphore, #tpu.memory_space<semaphore_mem>>
      %dma_start3A = arith.constant 0 : i32
      %dma_start3A_80 = tpu.memref_slice %arg6[%run_scoped3A_39, %dma_start3A] : memref<16x640xi32, #tpu.memory_space<vmem>> -> memref<1x640xi32, #tpu.memory_space<vmem>>
      %dma_start3A_81 = tpu.memref_squeeze %dma_start3A_80 : memref<1x640xi32, #tpu.memory_space<vmem>> -> memref<640xi32, #tpu.memory_space<vmem>>
      %dma_start3A_82 = tpu.memref_slice %arg8[%run_scoped3A_38, %mul3A_37] : memref<16x10240xi32, #tpu.memory_space<vmem_shared>> -> memref<1x640xi32, #tpu.memory_space<vmem_shared>>
      %dma_start3A_83 = tpu.memref_squeeze %dma_start3A_82 : memref<1x640xi32, #tpu.memory_space<vmem_shared>> -> memref<640xi32, #tpu.memory_space<vmem_shared>>
      %dma_start3A_84 = arith.constant 0 : i32
      %dma_start3A_85 = tpu.memref_slice %arg6[%run_scoped3A_39, %dma_start3A_84] : memref<16x640xi32, #tpu.memory_space<vmem>> -> memref<1x640xi32, #tpu.memory_space<vmem>>
      %dma_start3A_86 = tpu.memref_squeeze %dma_start3A_85 : memref<1x640xi32, #tpu.memory_space<vmem>> -> memref<640xi32, #tpu.memory_space<vmem>>
      %dma_start3A_87 = tpu.memref_slice %arg8[%run_scoped3A_38, %mul3A_37] : memref<16x10240xi32, #tpu.memory_space<vmem_shared>> -> memref<1x640xi32, #tpu.memory_space<vmem_shared>>
      %dma_start3A_88 = tpu.memref_squeeze %dma_start3A_87 : memref<1x640xi32, #tpu.memory_space<vmem_shared>> -> memref<640xi32, #tpu.memory_space<vmem_shared>>
      tpu.enqueue_dma source(%dma_start3A_88 : memref<640xi32, #tpu.memory_space<vmem_shared>>) target(%dma_start3A_86 : memref<640xi32, #tpu.memory_space<vmem>>) target_semaphore(%run_scoped3A_79 : memref<!tpu.dma_semaphore, #tpu.memory_space<semaphore_mem>>)
      %dma_wait3A = arith.constant 0 : i32
      %dma_wait3A_89 = tpu.memref_slice %arg6[%run_scoped3A_39, %dma_wait3A] : memref<16x640xi32, #tpu.memory_space<vmem>> -> memref<1x640xi32, #tpu.memory_space<vmem>>
      %dma_wait3A_90 = tpu.memref_squeeze %dma_wait3A_89 : memref<1x640xi32, #tpu.memory_space<vmem>> -> memref<640xi32, #tpu.memory_space<vmem>>
      %dma_wait3A_91 = tpu.memref_slice %arg8[%run_scoped3A_38, %mul3A_37] : memref<16x10240xi32, #tpu.memory_space<vmem_shared>> -> memref<1x640xi32, #tpu.memory_space<vmem_shared>>
      %dma_wait3A_92 = tpu.memref_squeeze %dma_wait3A_91 : memref<1x640xi32, #tpu.memory_space<vmem_shared>> -> memref<640xi32, #tpu.memory_space<vmem_shared>>
      %dma_wait3A_93 = arith.constant 0 : i32
      %dma_wait3A_94 = tpu.memref_slice %arg6[%run_scoped3A_39, %dma_wait3A_93] : memref<16x640xi32, #tpu.memory_space<vmem>> -> memref<1x640xi32, #tpu.memory_space<vmem>>
      %dma_wait3A_95 = tpu.memref_squeeze %dma_wait3A_94 : memref<1x640xi32, #tpu.memory_space<vmem>> -> memref<640xi32, #tpu.memory_space<vmem>>
      %dma_wait3A_96 = tpu.memref_slice %arg8[%run_scoped3A_38, %mul3A_37] : memref<16x10240xi32, #tpu.memory_space<vmem_shared>> -> memref<1x640xi32, #tpu.memory_space<vmem_shared>>
      %dma_wait3A_97 = tpu.memref_squeeze %dma_wait3A_96 : memref<1x640xi32, #tpu.memory_space<vmem_shared>> -> memref<640xi32, #tpu.memory_space<vmem_shared>>
      tpu.wait_dma2 semaphore(%run_scoped3A_79 : memref<!tpu.dma_semaphore, #tpu.memory_space<semaphore_mem>>) src(%dma_wait3A_97 : memref<640xi32, #tpu.memory_space<vmem_shared>>) dst(%dma_wait3A_95 : memref<640xi32, #tpu.memory_space<vmem>>)
      tpu.yield
    }) : () -> ()
    %mul3A_40 = arith.constant 640 : i32
    %mul3A_41 = arith.muli %arg1, %mul3A_40 : i32
    %run_scoped3A_42 = arith.constant 8 : i32
    %run_scoped3A_43 = arith.constant 8 : i32
    "tpu.region"() ({
      %run_scoped3A_79 = tpu.sem_alloc : memref<!tpu.dma_semaphore, #tpu.memory_space<semaphore_mem>>
      %dma_start3A = arith.constant 0 : i32
      %dma_start3A_80 = tpu.memref_slice %arg6[%run_scoped3A_43, %dma_start3A] : memref<16x640xi32, #tpu.memory_space<vmem>> -> memref<1x640xi32, #tpu.memory_space<vmem>>
      %dma_start3A_81 = tpu.memref_squeeze %dma_start3A_80 : memref<1x640xi32, #tpu.memory_space<vmem>> -> memref<640xi32, #tpu.memory_space<vmem>>
      %dma_start3A_82 = tpu.memref_slice %arg8[%run_scoped3A_42, %mul3A_41] : memref<16x10240xi32, #tpu.memory_space<vmem_shared>> -> memref<1x640xi32, #tpu.memory_space<vmem_shared>>
      %dma_start3A_83 = tpu.memref_squeeze %dma_start3A_82 : memref<1x640xi32, #tpu.memory_space<vmem_shared>> -> memref<640xi32, #tpu.memory_space<vmem_shared>>
      %dma_start3A_84 = arith.constant 0 : i32
      %dma_start3A_85 = tpu.memref_slice %arg6[%run_scoped3A_43, %dma_start3A_84] : memref<16x640xi32, #tpu.memory_space<vmem>> -> memref<1x640xi32, #tpu.memory_space<vmem>>
      %dma_start3A_86 = tpu.memref_squeeze %dma_start3A_85 : memref<1x640xi32, #tpu.memory_space<vmem>> -> memref<640xi32, #tpu.memory_space<vmem>>
      %dma_start3A_87 = tpu.memref_slice %arg8[%run_scoped3A_42, %mul3A_41] : memref<16x10240xi32, #tpu.memory_space<vmem_shared>> -> memref<1x640xi32, #tpu.memory_space<vmem_shared>>
      %dma_start3A_88 = tpu.memref_squeeze %dma_start3A_87 : memref<1x640xi32, #tpu.memory_space<vmem_shared>> -> memref<640xi32, #tpu.memory_space<vmem_shared>>
      tpu.enqueue_dma source(%dma_start3A_88 : memref<640xi32, #tpu.memory_space<vmem_shared>>) target(%dma_start3A_86 : memref<640xi32, #tpu.memory_space<vmem>>) target_semaphore(%run_scoped3A_79 : memref<!tpu.dma_semaphore, #tpu.memory_space<semaphore_mem>>)
      %dma_wait3A = arith.constant 0 : i32
      %dma_wait3A_89 = tpu.memref_slice %arg6[%run_scoped3A_43, %dma_wait3A] : memref<16x640xi32, #tpu.memory_space<vmem>> -> memref<1x640xi32, #tpu.memory_space<vmem>>
      %dma_wait3A_90 = tpu.memref_squeeze %dma_wait3A_89 : memref<1x640xi32, #tpu.memory_space<vmem>> -> memref<640xi32, #tpu.memory_space<vmem>>
      %dma_wait3A_91 = tpu.memref_slice %arg8[%run_scoped3A_42, %mul3A_41] : memref<16x10240xi32, #tpu.memory_space<vmem_shared>> -> memref<1x640xi32, #tpu.memory_space<vmem_shared>>
      %dma_wait3A_92 = tpu.memref_squeeze %dma_wait3A_91 : memref<1x640xi32, #tpu.memory_space<vmem_shared>> -> memref<640xi32, #tpu.memory_space<vmem_shared>>
      %dma_wait3A_93 = arith.constant 0 : i32
      %dma_wait3A_94 = tpu.memref_slice %arg6[%run_scoped3A_43, %dma_wait3A_93] : memref<16x640xi32, #tpu.memory_space<vmem>> -> memref<1x640xi32, #tpu.memory_space<vmem>>
      %dma_wait3A_95 = tpu.memref_squeeze %dma_wait3A_94 : memref<1x640xi32, #tpu.memory_space<vmem>> -> memref<640xi32, #tpu.memory_space<vmem>>
      %dma_wait3A_96 = tpu.memref_slice %arg8[%run_scoped3A_42, %mul3A_41] : memref<16x10240xi32, #tpu.memory_space<vmem_shared>> -> memref<1x640xi32, #tpu.memory_space<vmem_shared>>
      %dma_wait3A_97 = tpu.memref_squeeze %dma_wait3A_96 : memref<1x640xi32, #tpu.memory_space<vmem_shared>> -> memref<640xi32, #tpu.memory_space<vmem_shared>>
      tpu.wait_dma2 semaphore(%run_scoped3A_79 : memref<!tpu.dma_semaphore, #tpu.memory_space<semaphore_mem>>) src(%dma_wait3A_97 : memref<640xi32, #tpu.memory_space<vmem_shared>>) dst(%dma_wait3A_95 : memref<640xi32, #tpu.memory_space<vmem>>)
      tpu.yield
    }) : () -> ()
    %mul3A_44 = arith.constant 640 : i32
    %mul3A_45 = arith.muli %arg1, %mul3A_44 : i32
    %run_scoped3A_46 = arith.constant 9 : i32
    %run_scoped3A_47 = arith.constant 9 : i32
    "tpu.region"() ({
      %run_scoped3A_79 = tpu.sem_alloc : memref<!tpu.dma_semaphore, #tpu.memory_space<semaphore_mem>>
      %dma_start3A = arith.constant 0 : i32
      %dma_start3A_80 = tpu.memref_slice %arg6[%run_scoped3A_47, %dma_start3A] : memref<16x640xi32, #tpu.memory_space<vmem>> -> memref<1x640xi32, #tpu.memory_space<vmem>>
      %dma_start3A_81 = tpu.memref_squeeze %dma_start3A_80 : memref<1x640xi32, #tpu.memory_space<vmem>> -> memref<640xi32, #tpu.memory_space<vmem>>
      %dma_start3A_82 = tpu.memref_slice %arg8[%run_scoped3A_46, %mul3A_45] : memref<16x10240xi32, #tpu.memory_space<vmem_shared>> -> memref<1x640xi32, #tpu.memory_space<vmem_shared>>
      %dma_start3A_83 = tpu.memref_squeeze %dma_start3A_82 : memref<1x640xi32, #tpu.memory_space<vmem_shared>> -> memref<640xi32, #tpu.memory_space<vmem_shared>>
      %dma_start3A_84 = arith.constant 0 : i32
      %dma_start3A_85 = tpu.memref_slice %arg6[%run_scoped3A_47, %dma_start3A_84] : memref<16x640xi32, #tpu.memory_space<vmem>> -> memref<1x640xi32, #tpu.memory_space<vmem>>
      %dma_start3A_86 = tpu.memref_squeeze %dma_start3A_85 : memref<1x640xi32, #tpu.memory_space<vmem>> -> memref<640xi32, #tpu.memory_space<vmem>>
      %dma_start3A_87 = tpu.memref_slice %arg8[%run_scoped3A_46, %mul3A_45] : memref<16x10240xi32, #tpu.memory_space<vmem_shared>> -> memref<1x640xi32, #tpu.memory_space<vmem_shared>>
      %dma_start3A_88 = tpu.memref_squeeze %dma_start3A_87 : memref<1x640xi32, #tpu.memory_space<vmem_shared>> -> memref<640xi32, #tpu.memory_space<vmem_shared>>
      tpu.enqueue_dma source(%dma_start3A_88 : memref<640xi32, #tpu.memory_space<vmem_shared>>) target(%dma_start3A_86 : memref<640xi32, #tpu.memory_space<vmem>>) target_semaphore(%run_scoped3A_79 : memref<!tpu.dma_semaphore, #tpu.memory_space<semaphore_mem>>)
      %dma_wait3A = arith.constant 0 : i32
      %dma_wait3A_89 = tpu.memref_slice %arg6[%run_scoped3A_47, %dma_wait3A] : memref<16x640xi32, #tpu.memory_space<vmem>> -> memref<1x640xi32, #tpu.memory_space<vmem>>
      %dma_wait3A_90 = tpu.memref_squeeze %dma_wait3A_89 : memref<1x640xi32, #tpu.memory_space<vmem>> -> memref<640xi32, #tpu.memory_space<vmem>>
      %dma_wait3A_91 = tpu.memref_slice %arg8[%run_scoped3A_46, %mul3A_45] : memref<16x10240xi32, #tpu.memory_space<vmem_shared>> -> memref<1x640xi32, #tpu.memory_space<vmem_shared>>
      %dma_wait3A_92 = tpu.memref_squeeze %dma_wait3A_91 : memref<1x640xi32, #tpu.memory_space<vmem_shared>> -> memref<640xi32, #tpu.memory_space<vmem_shared>>
      %dma_wait3A_93 = arith.constant 0 : i32
      %dma_wait3A_94 = tpu.memref_slice %arg6[%run_scoped3A_47, %dma_wait3A_93] : memref<16x640xi32, #tpu.memory_space<vmem>> -> memref<1x640xi32, #tpu.memory_space<vmem>>
      %dma_wait3A_95 = tpu.memref_squeeze %dma_wait3A_94 : memref<1x640xi32, #tpu.memory_space<vmem>> -> memref<640xi32, #tpu.memory_space<vmem>>
      %dma_wait3A_96 = tpu.memref_slice %arg8[%run_scoped3A_46, %mul3A_45] : memref<16x10240xi32, #tpu.memory_space<vmem_shared>> -> memref<1x640xi32, #tpu.memory_space<vmem_shared>>
      %dma_wait3A_97 = tpu.memref_squeeze %dma_wait3A_96 : memref<1x640xi32, #tpu.memory_space<vmem_shared>> -> memref<640xi32, #tpu.memory_space<vmem_shared>>
      tpu.wait_dma2 semaphore(%run_scoped3A_79 : memref<!tpu.dma_semaphore, #tpu.memory_space<semaphore_mem>>) src(%dma_wait3A_97 : memref<640xi32, #tpu.memory_space<vmem_shared>>) dst(%dma_wait3A_95 : memref<640xi32, #tpu.memory_space<vmem>>)
      tpu.yield
    }) : () -> ()
    %mul3A_48 = arith.constant 640 : i32
    %mul3A_49 = arith.muli %arg1, %mul3A_48 : i32
    %run_scoped3A_50 = arith.constant 10 : i32
    %run_scoped3A_51 = arith.constant 10 : i32
    "tpu.region"() ({
      %run_scoped3A_79 = tpu.sem_alloc : memref<!tpu.dma_semaphore, #tpu.memory_space<semaphore_mem>>
      %dma_start3A = arith.constant 0 : i32
      %dma_start3A_80 = tpu.memref_slice %arg6[%run_scoped3A_51, %dma_start3A] : memref<16x640xi32, #tpu.memory_space<vmem>> -> memref<1x640xi32, #tpu.memory_space<vmem>>
      %dma_start3A_81 = tpu.memref_squeeze %dma_start3A_80 : memref<1x640xi32, #tpu.memory_space<vmem>> -> memref<640xi32, #tpu.memory_space<vmem>>
      %dma_start3A_82 = tpu.memref_slice %arg8[%run_scoped3A_50, %mul3A_49] : memref<16x10240xi32, #tpu.memory_space<vmem_shared>> -> memref<1x640xi32, #tpu.memory_space<vmem_shared>>
      %dma_start3A_83 = tpu.memref_squeeze %dma_start3A_82 : memref<1x640xi32, #tpu.memory_space<vmem_shared>> -> memref<640xi32, #tpu.memory_space<vmem_shared>>
      %dma_start3A_84 = arith.constant 0 : i32
      %dma_start3A_85 = tpu.memref_slice %arg6[%run_scoped3A_51, %dma_start3A_84] : memref<16x640xi32, #tpu.memory_space<vmem>> -> memref<1x640xi32, #tpu.memory_space<vmem>>
      %dma_start3A_86 = tpu.memref_squeeze %dma_start3A_85 : memref<1x640xi32, #tpu.memory_space<vmem>> -> memref<640xi32, #tpu.memory_space<vmem>>
      %dma_start3A_87 = tpu.memref_slice %arg8[%run_scoped3A_50, %mul3A_49] : memref<16x10240xi32, #tpu.memory_space<vmem_shared>> -> memref<1x640xi32, #tpu.memory_space<vmem_shared>>
      %dma_start3A_88 = tpu.memref_squeeze %dma_start3A_87 : memref<1x640xi32, #tpu.memory_space<vmem_shared>> -> memref<640xi32, #tpu.memory_space<vmem_shared>>
      tpu.enqueue_dma source(%dma_start3A_88 : memref<640xi32, #tpu.memory_space<vmem_shared>>) target(%dma_start3A_86 : memref<640xi32, #tpu.memory_space<vmem>>) target_semaphore(%run_scoped3A_79 : memref<!tpu.dma_semaphore, #tpu.memory_space<semaphore_mem>>)
      %dma_wait3A = arith.constant 0 : i32
      %dma_wait3A_89 = tpu.memref_slice %arg6[%run_scoped3A_51, %dma_wait3A] : memref<16x640xi32, #tpu.memory_space<vmem>> -> memref<1x640xi32, #tpu.memory_space<vmem>>
      %dma_wait3A_90 = tpu.memref_squeeze %dma_wait3A_89 : memref<1x640xi32, #tpu.memory_space<vmem>> -> memref<640xi32, #tpu.memory_space<vmem>>
      %dma_wait3A_91 = tpu.memref_slice %arg8[%run_scoped3A_50, %mul3A_49] : memref<16x10240xi32, #tpu.memory_space<vmem_shared>> -> memref<1x640xi32, #tpu.memory_space<vmem_shared>>
      %dma_wait3A_92 = tpu.memref_squeeze %dma_wait3A_91 : memref<1x640xi32, #tpu.memory_space<vmem_shared>> -> memref<640xi32, #tpu.memory_space<vmem_shared>>
      %dma_wait3A_93 = arith.constant 0 : i32
      %dma_wait3A_94 = tpu.memref_slice %arg6[%run_scoped3A_51, %dma_wait3A_93] : memref<16x640xi32, #tpu.memory_space<vmem>> -> memref<1x640xi32, #tpu.memory_space<vmem>>
      %dma_wait3A_95 = tpu.memref_squeeze %dma_wait3A_94 : memref<1x640xi32, #tpu.memory_space<vmem>> -> memref<640xi32, #tpu.memory_space<vmem>>
      %dma_wait3A_96 = tpu.memref_slice %arg8[%run_scoped3A_50, %mul3A_49] : memref<16x10240xi32, #tpu.memory_space<vmem_shared>> -> memref<1x640xi32, #tpu.memory_space<vmem_shared>>
      %dma_wait3A_97 = tpu.memref_squeeze %dma_wait3A_96 : memref<1x640xi32, #tpu.memory_space<vmem_shared>> -> memref<640xi32, #tpu.memory_space<vmem_shared>>
      tpu.wait_dma2 semaphore(%run_scoped3A_79 : memref<!tpu.dma_semaphore, #tpu.memory_space<semaphore_mem>>) src(%dma_wait3A_97 : memref<640xi32, #tpu.memory_space<vmem_shared>>) dst(%dma_wait3A_95 : memref<640xi32, #tpu.memory_space<vmem>>)
      tpu.yield
    }) : () -> ()
    %mul3A_52 = arith.constant 640 : i32
    %mul3A_53 = arith.muli %arg1, %mul3A_52 : i32
    %run_scoped3A_54 = arith.constant 11 : i32
    %run_scoped3A_55 = arith.constant 11 : i32
    "tpu.region"() ({
      %run_scoped3A_79 = tpu.sem_alloc : memref<!tpu.dma_semaphore, #tpu.memory_space<semaphore_mem>>
      %dma_start3A = arith.constant 0 : i32
      %dma_start3A_80 = tpu.memref_slice %arg6[%run_scoped3A_55, %dma_start3A] : memref<16x640xi32, #tpu.memory_space<vmem>> -> memref<1x640xi32, #tpu.memory_space<vmem>>
      %dma_start3A_81 = tpu.memref_squeeze %dma_start3A_80 : memref<1x640xi32, #tpu.memory_space<vmem>> -> memref<640xi32, #tpu.memory_space<vmem>>
      %dma_start3A_82 = tpu.memref_slice %arg8[%run_scoped3A_54, %mul3A_53] : memref<16x10240xi32, #tpu.memory_space<vmem_shared>> -> memref<1x640xi32, #tpu.memory_space<vmem_shared>>
      %dma_start3A_83 = tpu.memref_squeeze %dma_start3A_82 : memref<1x640xi32, #tpu.memory_space<vmem_shared>> -> memref<640xi32, #tpu.memory_space<vmem_shared>>
      %dma_start3A_84 = arith.constant 0 : i32
      %dma_start3A_85 = tpu.memref_slice %arg6[%run_scoped3A_55, %dma_start3A_84] : memref<16x640xi32, #tpu.memory_space<vmem>> -> memref<1x640xi32, #tpu.memory_space<vmem>>
      %dma_start3A_86 = tpu.memref_squeeze %dma_start3A_85 : memref<1x640xi32, #tpu.memory_space<vmem>> -> memref<640xi32, #tpu.memory_space<vmem>>
      %dma_start3A_87 = tpu.memref_slice %arg8[%run_scoped3A_54, %mul3A_53] : memref<16x10240xi32, #tpu.memory_space<vmem_shared>> -> memref<1x640xi32, #tpu.memory_space<vmem_shared>>
      %dma_start3A_88 = tpu.memref_squeeze %dma_start3A_87 : memref<1x640xi32, #tpu.memory_space<vmem_shared>> -> memref<640xi32, #tpu.memory_space<vmem_shared>>
      tpu.enqueue_dma source(%dma_start3A_88 : memref<640xi32, #tpu.memory_space<vmem_shared>>) target(%dma_start3A_86 : memref<640xi32, #tpu.memory_space<vmem>>) target_semaphore(%run_scoped3A_79 : memref<!tpu.dma_semaphore, #tpu.memory_space<semaphore_mem>>)
      %dma_wait3A = arith.constant 0 : i32
      %dma_wait3A_89 = tpu.memref_slice %arg6[%run_scoped3A_55, %dma_wait3A] : memref<16x640xi32, #tpu.memory_space<vmem>> -> memref<1x640xi32, #tpu.memory_space<vmem>>
      %dma_wait3A_90 = tpu.memref_squeeze %dma_wait3A_89 : memref<1x640xi32, #tpu.memory_space<vmem>> -> memref<640xi32, #tpu.memory_space<vmem>>
      %dma_wait3A_91 = tpu.memref_slice %arg8[%run_scoped3A_54, %mul3A_53] : memref<16x10240xi32, #tpu.memory_space<vmem_shared>> -> memref<1x640xi32, #tpu.memory_space<vmem_shared>>
      %dma_wait3A_92 = tpu.memref_squeeze %dma_wait3A_91 : memref<1x640xi32, #tpu.memory_space<vmem_shared>> -> memref<640xi32, #tpu.memory_space<vmem_shared>>
      %dma_wait3A_93 = arith.constant 0 : i32
      %dma_wait3A_94 = tpu.memref_slice %arg6[%run_scoped3A_55, %dma_wait3A_93] : memref<16x640xi32, #tpu.memory_space<vmem>> -> memref<1x640xi32, #tpu.memory_space<vmem>>
      %dma_wait3A_95 = tpu.memref_squeeze %dma_wait3A_94 : memref<1x640xi32, #tpu.memory_space<vmem>> -> memref<640xi32, #tpu.memory_space<vmem>>
      %dma_wait3A_96 = tpu.memref_slice %arg8[%run_scoped3A_54, %mul3A_53] : memref<16x10240xi32, #tpu.memory_space<vmem_shared>> -> memref<1x640xi32, #tpu.memory_space<vmem_shared>>
      %dma_wait3A_97 = tpu.memref_squeeze %dma_wait3A_96 : memref<1x640xi32, #tpu.memory_space<vmem_shared>> -> memref<640xi32, #tpu.memory_space<vmem_shared>>
      tpu.wait_dma2 semaphore(%run_scoped3A_79 : memref<!tpu.dma_semaphore, #tpu.memory_space<semaphore_mem>>) src(%dma_wait3A_97 : memref<640xi32, #tpu.memory_space<vmem_shared>>) dst(%dma_wait3A_95 : memref<640xi32, #tpu.memory_space<vmem>>)
      tpu.yield
    }) : () -> ()
    %mul3A_56 = arith.constant 640 : i32
    %mul3A_57 = arith.muli %arg1, %mul3A_56 : i32
    %run_scoped3A_58 = arith.constant 12 : i32
    %run_scoped3A_59 = arith.constant 12 : i32
    "tpu.region"() ({
      %run_scoped3A_79 = tpu.sem_alloc : memref<!tpu.dma_semaphore, #tpu.memory_space<semaphore_mem>>
      %dma_start3A = arith.constant 0 : i32
      %dma_start3A_80 = tpu.memref_slice %arg6[%run_scoped3A_59, %dma_start3A] : memref<16x640xi32, #tpu.memory_space<vmem>> -> memref<1x640xi32, #tpu.memory_space<vmem>>
      %dma_start3A_81 = tpu.memref_squeeze %dma_start3A_80 : memref<1x640xi32, #tpu.memory_space<vmem>> -> memref<640xi32, #tpu.memory_space<vmem>>
      %dma_start3A_82 = tpu.memref_slice %arg8[%run_scoped3A_58, %mul3A_57] : memref<16x10240xi32, #tpu.memory_space<vmem_shared>> -> memref<1x640xi32, #tpu.memory_space<vmem_shared>>
      %dma_start3A_83 = tpu.memref_squeeze %dma_start3A_82 : memref<1x640xi32, #tpu.memory_space<vmem_shared>> -> memref<640xi32, #tpu.memory_space<vmem_shared>>
      %dma_start3A_84 = arith.constant 0 : i32
      %dma_start3A_85 = tpu.memref_slice %arg6[%run_scoped3A_59, %dma_start3A_84] : memref<16x640xi32, #tpu.memory_space<vmem>> -> memref<1x640xi32, #tpu.memory_space<vmem>>
      %dma_start3A_86 = tpu.memref_squeeze %dma_start3A_85 : memref<1x640xi32, #tpu.memory_space<vmem>> -> memref<640xi32, #tpu.memory_space<vmem>>
      %dma_start3A_87 = tpu.memref_slice %arg8[%run_scoped3A_58, %mul3A_57] : memref<16x10240xi32, #tpu.memory_space<vmem_shared>> -> memref<1x640xi32, #tpu.memory_space<vmem_shared>>
      %dma_start3A_88 = tpu.memref_squeeze %dma_start3A_87 : memref<1x640xi32, #tpu.memory_space<vmem_shared>> -> memref<640xi32, #tpu.memory_space<vmem_shared>>
      tpu.enqueue_dma source(%dma_start3A_88 : memref<640xi32, #tpu.memory_space<vmem_shared>>) target(%dma_start3A_86 : memref<640xi32, #tpu.memory_space<vmem>>) target_semaphore(%run_scoped3A_79 : memref<!tpu.dma_semaphore, #tpu.memory_space<semaphore_mem>>)
      %dma_wait3A = arith.constant 0 : i32
      %dma_wait3A_89 = tpu.memref_slice %arg6[%run_scoped3A_59, %dma_wait3A] : memref<16x640xi32, #tpu.memory_space<vmem>> -> memref<1x640xi32, #tpu.memory_space<vmem>>
      %dma_wait3A_90 = tpu.memref_squeeze %dma_wait3A_89 : memref<1x640xi32, #tpu.memory_space<vmem>> -> memref<640xi32, #tpu.memory_space<vmem>>
      %dma_wait3A_91 = tpu.memref_slice %arg8[%run_scoped3A_58, %mul3A_57] : memref<16x10240xi32, #tpu.memory_space<vmem_shared>> -> memref<1x640xi32, #tpu.memory_space<vmem_shared>>
      %dma_wait3A_92 = tpu.memref_squeeze %dma_wait3A_91 : memref<1x640xi32, #tpu.memory_space<vmem_shared>> -> memref<640xi32, #tpu.memory_space<vmem_shared>>
      %dma_wait3A_93 = arith.constant 0 : i32
      %dma_wait3A_94 = tpu.memref_slice %arg6[%run_scoped3A_59, %dma_wait3A_93] : memref<16x640xi32, #tpu.memory_space<vmem>> -> memref<1x640xi32, #tpu.memory_space<vmem>>
      %dma_wait3A_95 = tpu.memref_squeeze %dma_wait3A_94 : memref<1x640xi32, #tpu.memory_space<vmem>> -> memref<640xi32, #tpu.memory_space<vmem>>
      %dma_wait3A_96 = tpu.memref_slice %arg8[%run_scoped3A_58, %mul3A_57] : memref<16x10240xi32, #tpu.memory_space<vmem_shared>> -> memref<1x640xi32, #tpu.memory_space<vmem_shared>>
      %dma_wait3A_97 = tpu.memref_squeeze %dma_wait3A_96 : memref<1x640xi32, #tpu.memory_space<vmem_shared>> -> memref<640xi32, #tpu.memory_space<vmem_shared>>
      tpu.wait_dma2 semaphore(%run_scoped3A_79 : memref<!tpu.dma_semaphore, #tpu.memory_space<semaphore_mem>>) src(%dma_wait3A_97 : memref<640xi32, #tpu.memory_space<vmem_shared>>) dst(%dma_wait3A_95 : memref<640xi32, #tpu.memory_space<vmem>>)
      tpu.yield
    }) : () -> ()
    %mul3A_60 = arith.constant 640 : i32
    %mul3A_61 = arith.muli %arg1, %mul3A_60 : i32
    %run_scoped3A_62 = arith.constant 13 : i32
    %run_scoped3A_63 = arith.constant 13 : i32
    "tpu.region"() ({
      %run_scoped3A_79 = tpu.sem_alloc : memref<!tpu.dma_semaphore, #tpu.memory_space<semaphore_mem>>
      %dma_start3A = arith.constant 0 : i32
      %dma_start3A_80 = tpu.memref_slice %arg6[%run_scoped3A_63, %dma_start3A] : memref<16x640xi32, #tpu.memory_space<vmem>> -> memref<1x640xi32, #tpu.memory_space<vmem>>
      %dma_start3A_81 = tpu.memref_squeeze %dma_start3A_80 : memref<1x640xi32, #tpu.memory_space<vmem>> -> memref<640xi32, #tpu.memory_space<vmem>>
      %dma_start3A_82 = tpu.memref_slice %arg8[%run_scoped3A_62, %mul3A_61] : memref<16x10240xi32, #tpu.memory_space<vmem_shared>> -> memref<1x640xi32, #tpu.memory_space<vmem_shared>>
      %dma_start3A_83 = tpu.memref_squeeze %dma_start3A_82 : memref<1x640xi32, #tpu.memory_space<vmem_shared>> -> memref<640xi32, #tpu.memory_space<vmem_shared>>
      %dma_start3A_84 = arith.constant 0 : i32
      %dma_start3A_85 = tpu.memref_slice %arg6[%run_scoped3A_63, %dma_start3A_84] : memref<16x640xi32, #tpu.memory_space<vmem>> -> memref<1x640xi32, #tpu.memory_space<vmem>>
      %dma_start3A_86 = tpu.memref_squeeze %dma_start3A_85 : memref<1x640xi32, #tpu.memory_space<vmem>> -> memref<640xi32, #tpu.memory_space<vmem>>
      %dma_start3A_87 = tpu.memref_slice %arg8[%run_scoped3A_62, %mul3A_61] : memref<16x10240xi32, #tpu.memory_space<vmem_shared>> -> memref<1x640xi32, #tpu.memory_space<vmem_shared>>
      %dma_start3A_88 = tpu.memref_squeeze %dma_start3A_87 : memref<1x640xi32, #tpu.memory_space<vmem_shared>> -> memref<640xi32, #tpu.memory_space<vmem_shared>>
      tpu.enqueue_dma source(%dma_start3A_88 : memref<640xi32, #tpu.memory_space<vmem_shared>>) target(%dma_start3A_86 : memref<640xi32, #tpu.memory_space<vmem>>) target_semaphore(%run_scoped3A_79 : memref<!tpu.dma_semaphore, #tpu.memory_space<semaphore_mem>>)
      %dma_wait3A = arith.constant 0 : i32
      %dma_wait3A_89 = tpu.memref_slice %arg6[%run_scoped3A_63, %dma_wait3A] : memref<16x640xi32, #tpu.memory_space<vmem>> -> memref<1x640xi32, #tpu.memory_space<vmem>>
      %dma_wait3A_90 = tpu.memref_squeeze %dma_wait3A_89 : memref<1x640xi32, #tpu.memory_space<vmem>> -> memref<640xi32, #tpu.memory_space<vmem>>
      %dma_wait3A_91 = tpu.memref_slice %arg8[%run_scoped3A_62, %mul3A_61] : memref<16x10240xi32, #tpu.memory_space<vmem_shared>> -> memref<1x640xi32, #tpu.memory_space<vmem_shared>>
      %dma_wait3A_92 = tpu.memref_squeeze %dma_wait3A_91 : memref<1x640xi32, #tpu.memory_space<vmem_shared>> -> memref<640xi32, #tpu.memory_space<vmem_shared>>
      %dma_wait3A_93 = arith.constant 0 : i32
      %dma_wait3A_94 = tpu.memref_slice %arg6[%run_scoped3A_63, %dma_wait3A_93] : memref<16x640xi32, #tpu.memory_space<vmem>> -> memref<1x640xi32, #tpu.memory_space<vmem>>
      %dma_wait3A_95 = tpu.memref_squeeze %dma_wait3A_94 : memref<1x640xi32, #tpu.memory_space<vmem>> -> memref<640xi32, #tpu.memory_space<vmem>>
      %dma_wait3A_96 = tpu.memref_slice %arg8[%run_scoped3A_62, %mul3A_61] : memref<16x10240xi32, #tpu.memory_space<vmem_shared>> -> memref<1x640xi32, #tpu.memory_space<vmem_shared>>
      %dma_wait3A_97 = tpu.memref_squeeze %dma_wait3A_96 : memref<1x640xi32, #tpu.memory_space<vmem_shared>> -> memref<640xi32, #tpu.memory_space<vmem_shared>>
      tpu.wait_dma2 semaphore(%run_scoped3A_79 : memref<!tpu.dma_semaphore, #tpu.memory_space<semaphore_mem>>) src(%dma_wait3A_97 : memref<640xi32, #tpu.memory_space<vmem_shared>>) dst(%dma_wait3A_95 : memref<640xi32, #tpu.memory_space<vmem>>)
      tpu.yield
    }) : () -> ()
    %mul3A_64 = arith.constant 640 : i32
    %mul3A_65 = arith.muli %arg1, %mul3A_64 : i32
    %run_scoped3A_66 = arith.constant 14 : i32
    %run_scoped3A_67 = arith.constant 14 : i32
    "tpu.region"() ({
      %run_scoped3A_79 = tpu.sem_alloc : memref<!tpu.dma_semaphore, #tpu.memory_space<semaphore_mem>>
      %dma_start3A = arith.constant 0 : i32
      %dma_start3A_80 = tpu.memref_slice %arg6[%run_scoped3A_67, %dma_start3A] : memref<16x640xi32, #tpu.memory_space<vmem>> -> memref<1x640xi32, #tpu.memory_space<vmem>>
      %dma_start3A_81 = tpu.memref_squeeze %dma_start3A_80 : memref<1x640xi32, #tpu.memory_space<vmem>> -> memref<640xi32, #tpu.memory_space<vmem>>
      %dma_start3A_82 = tpu.memref_slice %arg8[%run_scoped3A_66, %mul3A_65] : memref<16x10240xi32, #tpu.memory_space<vmem_shared>> -> memref<1x640xi32, #tpu.memory_space<vmem_shared>>
      %dma_start3A_83 = tpu.memref_squeeze %dma_start3A_82 : memref<1x640xi32, #tpu.memory_space<vmem_shared>> -> memref<640xi32, #tpu.memory_space<vmem_shared>>
      %dma_start3A_84 = arith.constant 0 : i32
      %dma_start3A_85 = tpu.memref_slice %arg6[%run_scoped3A_67, %dma_start3A_84] : memref<16x640xi32, #tpu.memory_space<vmem>> -> memref<1x640xi32, #tpu.memory_space<vmem>>
      %dma_start3A_86 = tpu.memref_squeeze %dma_start3A_85 : memref<1x640xi32, #tpu.memory_space<vmem>> -> memref<640xi32, #tpu.memory_space<vmem>>
      %dma_start3A_87 = tpu.memref_slice %arg8[%run_scoped3A_66, %mul3A_65] : memref<16x10240xi32, #tpu.memory_space<vmem_shared>> -> memref<1x640xi32, #tpu.memory_space<vmem_shared>>
      %dma_start3A_88 = tpu.memref_squeeze %dma_start3A_87 : memref<1x640xi32, #tpu.memory_space<vmem_shared>> -> memref<640xi32, #tpu.memory_space<vmem_shared>>
      tpu.enqueue_dma source(%dma_start3A_88 : memref<640xi32, #tpu.memory_space<vmem_shared>>) target(%dma_start3A_86 : memref<640xi32, #tpu.memory_space<vmem>>) target_semaphore(%run_scoped3A_79 : memref<!tpu.dma_semaphore, #tpu.memory_space<semaphore_mem>>)
      %dma_wait3A = arith.constant 0 : i32
      %dma_wait3A_89 = tpu.memref_slice %arg6[%run_scoped3A_67, %dma_wait3A] : memref<16x640xi32, #tpu.memory_space<vmem>> -> memref<1x640xi32, #tpu.memory_space<vmem>>
      %dma_wait3A_90 = tpu.memref_squeeze %dma_wait3A_89 : memref<1x640xi32, #tpu.memory_space<vmem>> -> memref<640xi32, #tpu.memory_space<vmem>>
      %dma_wait3A_91 = tpu.memref_slice %arg8[%run_scoped3A_66, %mul3A_65] : memref<16x10240xi32, #tpu.memory_space<vmem_shared>> -> memref<1x640xi32, #tpu.memory_space<vmem_shared>>
      %dma_wait3A_92 = tpu.memref_squeeze %dma_wait3A_91 : memref<1x640xi32, #tpu.memory_space<vmem_shared>> -> memref<640xi32, #tpu.memory_space<vmem_shared>>
      %dma_wait3A_93 = arith.constant 0 : i32
      %dma_wait3A_94 = tpu.memref_slice %arg6[%run_scoped3A_67, %dma_wait3A_93] : memref<16x640xi32, #tpu.memory_space<vmem>> -> memref<1x640xi32, #tpu.memory_space<vmem>>
      %dma_wait3A_95 = tpu.memref_squeeze %dma_wait3A_94 : memref<1x640xi32, #tpu.memory_space<vmem>> -> memref<640xi32, #tpu.memory_space<vmem>>
      %dma_wait3A_96 = tpu.memref_slice %arg8[%run_scoped3A_66, %mul3A_65] : memref<16x10240xi32, #tpu.memory_space<vmem_shared>> -> memref<1x640xi32, #tpu.memory_space<vmem_shared>>
      %dma_wait3A_97 = tpu.memref_squeeze %dma_wait3A_96 : memref<1x640xi32, #tpu.memory_space<vmem_shared>> -> memref<640xi32, #tpu.memory_space<vmem_shared>>
      tpu.wait_dma2 semaphore(%run_scoped3A_79 : memref<!tpu.dma_semaphore, #tpu.memory_space<semaphore_mem>>) src(%dma_wait3A_97 : memref<640xi32, #tpu.memory_space<vmem_shared>>) dst(%dma_wait3A_95 : memref<640xi32, #tpu.memory_space<vmem>>)
      tpu.yield
    }) : () -> ()
    %mul3A_68 = arith.constant 640 : i32
    %mul3A_69 = arith.muli %arg1, %mul3A_68 : i32
    %run_scoped3A_70 = arith.constant 15 : i32
    %run_scoped3A_71 = arith.constant 15 : i32
    "tpu.region"() ({
      %run_scoped3A_79 = tpu.sem_alloc : memref<!tpu.dma_semaphore, #tpu.memory_space<semaphore_mem>>
      %dma_start3A = arith.constant 0 : i32
      %dma_start3A_80 = tpu.memref_slice %arg6[%run_scoped3A_71, %dma_start3A] : memref<16x640xi32, #tpu.memory_space<vmem>> -> memref<1x640xi32, #tpu.memory_space<vmem>>
      %dma_start3A_81 = tpu.memref_squeeze %dma_start3A_80 : memref<1x640xi32, #tpu.memory_space<vmem>> -> memref<640xi32, #tpu.memory_space<vmem>>
      %dma_start3A_82 = tpu.memref_slice %arg8[%run_scoped3A_70, %mul3A_69] : memref<16x10240xi32, #tpu.memory_space<vmem_shared>> -> memref<1x640xi32, #tpu.memory_space<vmem_shared>>
      %dma_start3A_83 = tpu.memref_squeeze %dma_start3A_82 : memref<1x640xi32, #tpu.memory_space<vmem_shared>> -> memref<640xi32, #tpu.memory_space<vmem_shared>>
      %dma_start3A_84 = arith.constant 0 : i32
      %dma_start3A_85 = tpu.memref_slice %arg6[%run_scoped3A_71, %dma_start3A_84] : memref<16x640xi32, #tpu.memory_space<vmem>> -> memref<1x640xi32, #tpu.memory_space<vmem>>
      %dma_start3A_86 = tpu.memref_squeeze %dma_start3A_85 : memref<1x640xi32, #tpu.memory_space<vmem>> -> memref<640xi32, #tpu.memory_space<vmem>>
      %dma_start3A_87 = tpu.memref_slice %arg8[%run_scoped3A_70, %mul3A_69] : memref<16x10240xi32, #tpu.memory_space<vmem_shared>> -> memref<1x640xi32, #tpu.memory_space<vmem_shared>>
      %dma_start3A_88 = tpu.memref_squeeze %dma_start3A_87 : memref<1x640xi32, #tpu.memory_space<vmem_shared>> -> memref<640xi32, #tpu.memory_space<vmem_shared>>
      tpu.enqueue_dma source(%dma_start3A_88 : memref<640xi32, #tpu.memory_space<vmem_shared>>) target(%dma_start3A_86 : memref<640xi32, #tpu.memory_space<vmem>>) target_semaphore(%run_scoped3A_79 : memref<!tpu.dma_semaphore, #tpu.memory_space<semaphore_mem>>)
      %dma_wait3A = arith.constant 0 : i32
      %dma_wait3A_89 = tpu.memref_slice %arg6[%run_scoped3A_71, %dma_wait3A] : memref<16x640xi32, #tpu.memory_space<vmem>> -> memref<1x640xi32, #tpu.memory_space<vmem>>
      %dma_wait3A_90 = tpu.memref_squeeze %dma_wait3A_89 : memref<1x640xi32, #tpu.memory_space<vmem>> -> memref<640xi32, #tpu.memory_space<vmem>>
      %dma_wait3A_91 = tpu.memref_slice %arg8[%run_scoped3A_70, %mul3A_69] : memref<16x10240xi32, #tpu.memory_space<vmem_shared>> -> memref<1x640xi32, #tpu.memory_space<vmem_shared>>
      %dma_wait3A_92 = tpu.memref_squeeze %dma_wait3A_91 : memref<1x640xi32, #tpu.memory_space<vmem_shared>> -> memref<640xi32, #tpu.memory_space<vmem_shared>>
      %dma_wait3A_93 = arith.constant 0 : i32
      %dma_wait3A_94 = tpu.memref_slice %arg6[%run_scoped3A_71, %dma_wait3A_93] : memref<16x640xi32, #tpu.memory_space<vmem>> -> memref<1x640xi32, #tpu.memory_space<vmem>>
      %dma_wait3A_95 = tpu.memref_squeeze %dma_wait3A_94 : memref<1x640xi32, #tpu.memory_space<vmem>> -> memref<640xi32, #tpu.memory_space<vmem>>
      %dma_wait3A_96 = tpu.memref_slice %arg8[%run_scoped3A_70, %mul3A_69] : memref<16x10240xi32, #tpu.memory_space<vmem_shared>> -> memref<1x640xi32, #tpu.memory_space<vmem_shared>>
      %dma_wait3A_97 = tpu.memref_squeeze %dma_wait3A_96 : memref<1x640xi32, #tpu.memory_space<vmem_shared>> -> memref<640xi32, #tpu.memory_space<vmem_shared>>
      tpu.wait_dma2 semaphore(%run_scoped3A_79 : memref<!tpu.dma_semaphore, #tpu.memory_space<semaphore_mem>>) src(%dma_wait3A_97 : memref<640xi32, #tpu.memory_space<vmem_shared>>) dst(%dma_wait3A_95 : memref<640xi32, #tpu.memory_space<vmem>>)
      tpu.yield
    }) : () -> ()
    %scan3A_72 = arith.constant 0 : i32
    %scan3A_73 = arith.constant 40 : i32
    %scan3A_74 = arith.addi %scan3A_72, %scan3A_73 : i32
    %scan3A_75 = arith.constant 1 : i32
    scf.for %scan3A_79 = %scan3A_72 to %scan3A_74 step %scan3A_75  : i32 {
      %mul3A_80 = arith.constant 16 : i32
      %mul3A_81 = arith.muli %scan3A_79, %mul3A_80 : i32
      %add3A = arith.constant 0 : i32
      %add3A_82 = arith.addi %add3A, %mul3A_81 : i32
      %get3A = arith.constant 0 : i32
      %get3A_83 = arith.index_cast %get3A : i32 to index
      %get3A_84 = arith.index_cast %add3A_82 : i32 to index
      %get3A_85 = tpu.vector_load %arg6[%get3A_83, %get3A_84] {strides = array<i32>} : memref<16x640xi32, #tpu.memory_space<vmem>>, vector<16xi32>,
      %get3A_86 = arith.constant 1 : i32
      %get3A_87 = arith.index_cast %get3A_86 : i32 to index
      %get3A_88 = arith.index_cast %add3A_82 : i32 to index
      %get3A_89 = tpu.vector_load %arg6[%get3A_87, %get3A_88] {strides = array<i32>} : memref<16x640xi32, #tpu.memory_space<vmem>>, vector<16xi32>,
      %add3A_90 = arith.addi %get3A_85, %get3A_89 : vector<16xi32>
      %get3A_91 = arith.constant 2 : i32
      %get3A_92 = arith.index_cast %get3A_91 : i32 to index
      %get3A_93 = arith.index_cast %add3A_82 : i32 to index
      %get3A_94 = tpu.vector_load %arg6[%get3A_92, %get3A_93] {strides = array<i32>} : memref<16x640xi32, #tpu.memory_space<vmem>>, vector<16xi32>,
      %add3A_95 = arith.addi %add3A_90, %get3A_94 : vector<16xi32>
      %get3A_96 = arith.constant 3 : i32
      %get3A_97 = arith.index_cast %get3A_96 : i32 to index
      %get3A_98 = arith.index_cast %add3A_82 : i32 to index
      %get3A_99 = tpu.vector_load %arg6[%get3A_97, %get3A_98] {strides = array<i32>} : memref<16x640xi32, #tpu.memory_space<vmem>>, vector<16xi32>,
      %add3A_100 = arith.addi %add3A_95, %get3A_99 : vector<16xi32>
      %get3A_101 = arith.constant 4 : i32
      %get3A_102 = arith.index_cast %get3A_101 : i32 to index
      %get3A_103 = arith.index_cast %add3A_82 : i32 to index
      %get3A_104 = tpu.vector_load %arg6[%get3A_102, %get3A_103] {strides = array<i32>} : memref<16x640xi32, #tpu.memory_space<vmem>>, vector<16xi32>,
      %add3A_105 = arith.addi %add3A_100, %get3A_104 : vector<16xi32>
      %get3A_106 = arith.constant 5 : i32
      %get3A_107 = arith.index_cast %get3A_106 : i32 to index
      %get3A_108 = arith.index_cast %add3A_82 : i32 to index
      %get3A_109 = tpu.vector_load %arg6[%get3A_107, %get3A_108] {strides = array<i32>} : memref<16x640xi32, #tpu.memory_space<vmem>>, vector<16xi32>,
      %add3A_110 = arith.addi %add3A_105, %get3A_109 : vector<16xi32>
      %get3A_111 = arith.constant 6 : i32
      %get3A_112 = arith.index_cast %get3A_111 : i32 to index
      %get3A_113 = arith.index_cast %add3A_82 : i32 to index
      %get3A_114 = tpu.vector_load %arg6[%get3A_112, %get3A_113] {strides = array<i32>} : memref<16x640xi32, #tpu.memory_space<vmem>>, vector<16xi32>,
      %add3A_115 = arith.addi %add3A_110, %get3A_114 : vector<16xi32>
      %get3A_116 = arith.constant 7 : i32
      %get3A_117 = arith.index_cast %get3A_116 : i32 to index
      %get3A_118 = arith.index_cast %add3A_82 : i32 to index
      %get3A_119 = tpu.vector_load %arg6[%get3A_117, %get3A_118] {strides = array<i32>} : memref<16x640xi32, #tpu.memory_space<vmem>>, vector<16xi32>,
      %add3A_120 = arith.addi %add3A_115, %get3A_119 : vector<16xi32>
      %get3A_121 = arith.constant 8 : i32
      %get3A_122 = arith.index_cast %get3A_121 : i32 to index
      %get3A_123 = arith.index_cast %add3A_82 : i32 to index
      %get3A_124 = tpu.vector_load %arg6[%get3A_122, %get3A_123] {strides = array<i32>} : memref<16x640xi32, #tpu.memory_space<vmem>>, vector<16xi32>,
      %add3A_125 = arith.addi %add3A_120, %get3A_124 : vector<16xi32>
      %get3A_126 = arith.constant 9 : i32
      %get3A_127 = arith.index_cast %get3A_126 : i32 to index
      %get3A_128 = arith.index_cast %add3A_82 : i32 to index
      %get3A_129 = tpu.vector_load %arg6[%get3A_127, %get3A_128] {strides = array<i32>} : memref<16x640xi32, #tpu.memory_space<vmem>>, vector<16xi32>,
      %add3A_130 = arith.addi %add3A_125, %get3A_129 : vector<16xi32>
      %get3A_131 = arith.constant 10 : i32
      %get3A_132 = arith.index_cast %get3A_131 : i32 to index
      %get3A_133 = arith.index_cast %add3A_82 : i32 to index
      %get3A_134 = tpu.vector_load %arg6[%get3A_132, %get3A_133] {strides = array<i32>} : memref<16x640xi32, #tpu.memory_space<vmem>>, vector<16xi32>,
      %add3A_135 = arith.addi %add3A_130, %get3A_134 : vector<16xi32>
      %get3A_136 = arith.constant 11 : i32
      %get3A_137 = arith.index_cast %get3A_136 : i32 to index
      %get3A_138 = arith.index_cast %add3A_82 : i32 to index
      %get3A_139 = tpu.vector_load %arg6[%get3A_137, %get3A_138] {strides = array<i32>} : memref<16x640xi32, #tpu.memory_space<vmem>>, vector<16xi32>,
      %add3A_140 = arith.addi %add3A_135, %get3A_139 : vector<16xi32>
      %get3A_141 = arith.constant 12 : i32
      %get3A_142 = arith.index_cast %get3A_141 : i32 to index
      %get3A_143 = arith.index_cast %add3A_82 : i32 to index
      %get3A_144 = tpu.vector_load %arg6[%get3A_142, %get3A_143] {strides = array<i32>} : memref<16x640xi32, #tpu.memory_space<vmem>>, vector<16xi32>,
      %add3A_145 = arith.addi %add3A_140, %get3A_144 : vector<16xi32>
      %get3A_146 = arith.constant 13 : i32
      %get3A_147 = arith.index_cast %get3A_146 : i32 to index
      %get3A_148 = arith.index_cast %add3A_82 : i32 to index
      %get3A_149 = tpu.vector_load %arg6[%get3A_147, %get3A_148] {strides = array<i32>} : memref<16x640xi32, #tpu.memory_space<vmem>>, vector<16xi32>,
      %add3A_150 = arith.addi %add3A_145, %get3A_149 : vector<16xi32>
      %get3A_151 = arith.constant 14 : i32
      %get3A_152 = arith.index_cast %get3A_151 : i32 to index
      %get3A_153 = arith.index_cast %add3A_82 : i32 to index
      %get3A_154 = tpu.vector_load %arg6[%get3A_152, %get3A_153] {strides = array<i32>} : memref<16x640xi32, #tpu.memory_space<vmem>>, vector<16xi32>,
      %add3A_155 = arith.addi %add3A_150, %get3A_154 : vector<16xi32>
      %get3A_156 = arith.constant 15 : i32
      %get3A_157 = arith.index_cast %get3A_156 : i32 to index
      %get3A_158 = arith.index_cast %add3A_82 : i32 to index
      %get3A_159 = tpu.vector_load %arg6[%get3A_157, %get3A_158] {strides = array<i32>} : memref<16x640xi32, #tpu.memory_space<vmem>>, vector<16xi32>,
      %add3A_160 = arith.addi %add3A_155, %get3A_159 : vector<16xi32>
      %swap3A = arith.index_cast %add3A_82 : i32 to index
      %swap3A_161 = tpu.vector_load %arg5[%swap3A] {strides = array<i32>} : memref<10240xi32, #tpu.memory_space<vmem>>, vector<16xi32>,
      tpu.vector_store %arg5[%swap3A], %add3A_160 {strides = array<i32>} : memref<10240xi32, #tpu.memory_space<vmem>>, vector<16xi32>,
    }
    %scan3A_76 = arith.constant 40 : i32
    %mul3A_77 = arith.constant 640 : i32
    %mul3A_78 = arith.muli %arg1, %mul3A_77 : i32
    "tpu.region"() ({
      %run_scoped3A_79 = tpu.sem_alloc : memref<!tpu.dma_semaphore, #tpu.memory_space<semaphore_mem>>
      %dma_start3A = arith.constant 0 : i32
      %dma_start3A_80 = tpu.memref_slice %arg5[%dma_start3A] : memref<10240xi32, #tpu.memory_space<vmem>> -> memref<640xi32, #tpu.memory_space<vmem>>
      %dma_start3A_81 = tpu.memref_slice %arg3[%arg0, %mul3A_78] : memref<2x10240xi32, #tpu.memory_space<hbm>> -> memref<1x640xi32, #tpu.memory_space<hbm>>
      %dma_start3A_82 = tpu.memref_squeeze %dma_start3A_81 : memref<1x640xi32, #tpu.memory_space<hbm>> -> memref<640xi32, #tpu.memory_space<hbm>>
      %dma_start3A_83 = tpu.memref_slice %arg3[%arg0, %mul3A_78] : memref<2x10240xi32, #tpu.memory_space<hbm>> -> memref<1x640xi32, #tpu.memory_space<hbm>>
      %dma_start3A_84 = tpu.memref_squeeze %dma_start3A_83 : memref<1x640xi32, #tpu.memory_space<hbm>> -> memref<640xi32, #tpu.memory_space<hbm>>
      %dma_start3A_85 = arith.constant 0 : i32
      %dma_start3A_86 = tpu.memref_slice %arg5[%dma_start3A_85] : memref<10240xi32, #tpu.memory_space<vmem>> -> memref<640xi32, #tpu.memory_space<vmem>>
      tpu.enqueue_dma source(%dma_start3A_86 : memref<640xi32, #tpu.memory_space<vmem>>) target(%dma_start3A_84 : memref<640xi32, #tpu.memory_space<hbm>>) target_semaphore(%run_scoped3A_79 : memref<!tpu.dma_semaphore, #tpu.memory_space<semaphore_mem>>)
      %dma_wait3A = arith.constant 0 : i32
      %dma_wait3A_87 = tpu.memref_slice %arg5[%dma_wait3A] : memref<10240xi32, #tpu.memory_space<vmem>> -> memref<640xi32, #tpu.memory_space<vmem>>
      %dma_wait3A_88 = tpu.memref_slice %arg3[%arg0, %mul3A_78] : memref<2x10240xi32, #tpu.memory_space<hbm>> -> memref<1x640xi32, #tpu.memory_space<hbm>>
      %dma_wait3A_89 = tpu.memref_squeeze %dma_wait3A_88 : memref<1x640xi32, #tpu.memory_space<hbm>> -> memref<640xi32, #tpu.memory_space<hbm>>
      %dma_wait3A_90 = tpu.memref_slice %arg3[%arg0, %mul3A_78] : memref<2x10240xi32, #tpu.memory_space<hbm>> -> memref<1x640xi32, #tpu.memory_space<hbm>>
      %dma_wait3A_91 = tpu.memref_squeeze %dma_wait3A_90 : memref<1x640xi32, #tpu.memory_space<hbm>> -> memref<640xi32, #tpu.memory_space<hbm>>
      %dma_wait3A_92 = arith.constant 0 : i32
      %dma_wait3A_93 = tpu.memref_slice %arg5[%dma_wait3A_92] : memref<10240xi32, #tpu.memory_space<vmem>> -> memref<640xi32, #tpu.memory_space<vmem>>
      tpu.wait_dma2 semaphore(%run_scoped3A_79 : memref<!tpu.dma_semaphore, #tpu.memory_space<semaphore_mem>>) src(%dma_wait3A_93 : memref<640xi32, #tpu.memory_space<vmem>>) dst(%dma_wait3A_91 : memref<640xi32, #tpu.memory_space<hbm>>)
      tpu.yield
    }) : () -> ()
    return
  }
}

</mosaic_0001>

<sc_bundles>
// kernel: _count.3.cloned.1.call-start
scs
__scs_entry_jumppad:
0x0: {  	(pc) =	sbr.rel $0x88, $3  }
0x1: {  	(tag) =	ssettag $0x0;
	lr =	simm.s32 $0x1  }
0x2: {  	[smem:$0x3FA0] =	sst lr;
	_ =	strace $0xD0000000  }
0x3: {  	_ = 	snop  }
0x4: {  	_ = 	snop  }
0x5: {  	_ = 	snop  }
0x6: {  	_ = 	snop  }
0x7: {  	_ = 	snop  }
__scs_overlays_trampoline_lowered:
0x8: {  	[smem:$0x3FAF] =	sst s0  }
0x9: {  	[smem:$0x3FB0] =	sst s1  }
0xa: {  	[smem:$0x3FB1] =	sst s2  }
0xb: {  	[smem:$0x3FB2] =	sst s3  }
0xc: {  	[smem:$0x3FB3] =	sst s4  }
0xd: {  	[smem:$0x3FB4] =	sst s5  }
0xe: {  	[smem:$0x3FB5] =	sst s6  }
0xf: {  	[smem:$0x3FB6] =	sst s7  }
0x10: {  	[smem:$0x3FB7] =	sst s8  }
0x11: {  	[smem:$0x3FB8] =	sst s9;
	s0 =	simm.s32 @!p0 $0x0  }
0x12: {  	s1 =	sld [smem:$0x3F9E];
	s0 =	simm.s32 @p0 $0x1  }
0x13: {  	[smem:$0x3FB9] =	sst s0;
	s0 =	simm.s32 @!p1 $0x0  }
0x14: {  	s2 =	sld [smem:$0x3F9D];
	s0 =	simm.s32 @p1 $0x1  }
0x15: {  	[smem:$0x3FBA] =	sst s0;
	s0 =	simm.s32 @!p2 $0x0  }
0x16: {  	s3 =	sld [smem:$0x3FDB];
	s0 =	simm.s32 @p2 $0x1  }
0x17: {  	s4 =	simm.s32 $0x1BF5;
	[smem:$0x3FBC] =	sst s0  }
0x18: {  	s0 =	sld [smem:$0x3F9F];
	_ =	swait.ge [sflag:s4], $0x0  }
0x19: {  	s7 =	sld [smem:$0x3FA0]  }
0x1a: {  	s8 =	sadd.s32 $0xFFFFE003, lr  }
0x1b: {  	s9 =	sadd.s32 $0xFFFFFEF7, lr;
	s5 =	simm.s32 $0xFFFFFFFF;
	p2 =	slt.u32 s8, $0xFFFFF086  }
0x1c: {  	p1 =	slt.u32 s9, $0xF7A;
	s5 =	simm.s32 @!p2 $0x0  }
0x1d: {  	s5 =	simm.s32 @p1 $0x1;
	p0 =	seq.s32 s7, s2  }
0x1e: {  	s7 =	smul.u32 @!p0 $0xF7A, s2;
	p2 =	seq.s32 @!p0 s5, $0x0  }
0x1f: {  	s9 =	smul.u32 $0xF7A, s1;
	s8 =	simm.s32 @!p0 $0x1BF5;
	p2 =	por !p2, p0  }
0x20: {  	[sflag:s8] =	ssyncset.s32 @!p0 $0xFFFFF086;
	s6 =	sadd.s32 @!p0 s3, s7;
	s7 =	simm.s32 @!p0 $0x108  }
0x21: {  	s3 =	sadd.s32 s3, s9;
	s6 =	sadd.s32 @!p0 $0x88, s6;
	s7 =	simm.s32 @p2 $0x1082  }
0x22: {  	[simem:s7], [sflag:s8] =	dma.local @!p0 [hbm:s6], $0xF7A  }
0x23: {  	s9 =	sor.u32 $0xD0000000, s2;
	s6 =	simm.s32 $0x108;
	_ =	swait.ge @!p0 [sflag:s8], $0x0  }
0x24: {  	s3 =	sadd.s32 $0x88, s3;
	s6 =	simm.s32 @!p1 $0x1082;
	[sflag:s4] =	ssyncset.s32 $0xFFFFF086  }
0x25: {  	[simem:s6], [sflag:s4] =	dma.local [hbm:s3], $0xF7A  }
0x26: {  	[smem:$0x3FA0] =	sst s1;
	(tag) =	ssettag s2;
	_ =	strace s9  }
0x27: {  	s1 =	sld [smem:$0x3FB0]  }
0x28: {  	s2 =	sld [smem:$0x3FB1]  }
0x29: {  	s4 =	sld [smem:$0x3FB3]  }
0x2a: {  	p0 =	seq.s32 s5, $0x0;
	s5 =	sld [smem:$0x3FB4]  }
0x2b: {  	s6 =	sld [smem:$0x3FB5]  }
0x2c: {  	s7 =	sld [smem:$0x3FB6]  }
0x2d: {  	s3 =	simm.s32 $0x108;
	s8 =	sld [smem:$0x3FB7]  }
0x2e: {  	s3 =	simm.s32 @!p0 $0x1082;
	s9 =	sld [smem:$0x3FB8]  }
0x2f: {  	lr =	sadd.s32 s0, s3;
	s0 =	sld [smem:$0x3FAF]  }
0x30: {  	s3 =	sld [smem:$0x3FB2]  }
0x31: {  	[smem:$0x3FBB] =	sst s10  }
0x32: {  	s10 =	sld [smem:$0x3FB9];
	_ =	sdelay $0x3  }
0x33: {  	p0 =	seq.s32 s10, $0x1;
	s10 =	sld [smem:$0x3FBB];
	_ =	sdelay $0x3  }
0x34: {  	[smem:$0x3FBB] =	sst s10  }
0x35: {  	s10 =	sld [smem:$0x3FBA];
	_ =	sdelay $0x3  }
0x36: {  	p1 =	seq.s32 s10, $0x1;
	s10 =	sld [smem:$0x3FBB];
	_ =	sdelay $0x3  }
0x37: {  	[smem:$0x3FBB] =	sst s10  }
0x38: {  	s10 =	sld [smem:$0x3FBC]  }
0x39: {  	_ = 	snop;
	(pc) =	sbr.ind lr, $3  }
0x3a: {  	_ = 	snop  }
0x3b: {  	_ = 	snop  }
0x3c: {  	p2 =	seq.s32 s10, $0x1;
	s10 =	sld [smem:$0x3FBB]  }
0x3d: {  	_ =	shalt  }
0x3e: {  	_ =	shalt  }
0x3f: {  	_ =	shalt  }
0x40: {  	_ =	shalt  }
0x41: {  	_ =	shalt  }
0x42: {  	_ =	shalt  }
0x43: {  	_ =	shalt  }
0x44: {  	_ =	shalt  }
0x45: {  	_ =	shalt  }
0x46: {  	_ =	shalt  }
0x47: {  	_ =	shalt  }
0x48: {  	_ =	shalt  }
0x49: {  	_ =	shalt  }
0x4a: {  	_ =	shalt  }
0x4b: {  	_ =	shalt  }
0x4c: {  	_ =	shalt  }
0x4d: {  	_ =	shalt  }
0x4e: {  	_ =	shalt  }
0x4f: {  	_ =	shalt  }
0x50: {  	_ =	shalt  }
0x51: {  	_ =	shalt  }
0x52: {  	_ =	shalt  }
0x53: {  	_ =	shalt  }
0x54: {  	_ =	shalt  }
0x55: {  	_ =	shalt  }
0x56: {  	_ =	shalt  }
0x57: {  	_ =	shalt  }
0x58: {  	_ =	shalt  }
0x59: {  	_ =	shalt  }
0x5a: {  	_ =	shalt  }
0x5b: {  	_ =	shalt  }
0x5c: {  	_ =	shalt  }
0x5d: {  	_ =	shalt  }
0x5e: {  	_ =	shalt  }
0x5f: {  	_ =	shalt  }
0x60: {  	_ =	shalt  }
0x61: {  	_ =	shalt  }
0x62: {  	_ =	shalt  }
0x63: {  	_ =	shalt  }
0x64: {  	_ =	shalt  }
0x65: {  	_ =	shalt  }
0x66: {  	_ =	shalt  }
0x67: {  	_ =	shalt  }
0x68: {  	_ =	shalt  }
0x69: {  	_ =	shalt  }
0x6a: {  	_ =	shalt  }
0x6b: {  	_ =	shalt  }
0x6c: {  	_ =	shalt  }
0x6d: {  	_ =	shalt  }
0x6e: {  	_ =	shalt  }
0x6f: {  	_ =	shalt  }
0x70: {  	_ =	shalt  }
0x71: {  	_ =	shalt  }
0x72: {  	_ =	shalt  }
0x73: {  	_ =	shalt  }
0x74: {  	_ =	shalt  }
0x75: {  	_ =	shalt  }
0x76: {  	_ =	shalt  }
0x77: {  	_ =	shalt  }
0x78: {  	_ =	shalt  }
0x79: {  	_ =	shalt  }
0x7a: {  	_ =	shalt  }
0x7b: {  	_ =	shalt  }
0x7c: {  	_ =	shalt  }
0x7d: {  	_ =	shalt  }
0x7e: {  	_ =	shalt  }
0x7f: {  	_ =	shalt  }
0x80: {  	_ =	shalt  }
0x81: {  	_ =	shalt  }
0x82: {  	_ =	shalt  }
0x83: {  	_ =	shalt  }
0x84: {  	_ =	shalt  }
0x85: {  	_ =	shalt  }
0x86: {  	_ =	shalt  }
0x87: {  	_ =	shalt  }
.Lfunc_end0:
.L_simem_size_0:
called_computation_lowered:
.L_overlay_start_0:
0x88: {  	s2 =	sld [smem:$0x3FD9]  }
0x89: {  	s3 =	sld [smem:$0x3FFE];
	_ =	sdelay $0x1  }
0x8a: {  	s1 =	srdreg.scid  }
0x8b: {  	s0 =	sand.u32 $0x1, s1  }
0x8c: {  	s17 =	sshll.u32 s0, $0xA;
	s2 =	sadd.s32 s3, s2  }
0x8d: {  	s2 =	sadd.s32 s2, s17  }
0x8e: {  	[smem:$0x3FC7] =	sst s2  }
0x8f: {  	_ = 	snop  }
0x90: {  	s2 =	sld [smem:$0x3FD0];
	(tm) =	ssettm $0x1  }
0x91: {  	s18 =	sld [smem:$0x3FFB];
	_ =	sdelay $0x3  }
0x92: {  	_ =	strace s18  }
0x93: {  	s3 =	sld [smem:$0x3FFC];
	_ =	sdelay $0x3  }
0x94: {  	_ =	strace s3  }
0x95: {  	s3 =	sld [smem:$0x3FFD];
	_ =	sdelay $0x3  }
0x96: {  	_ =	strace s3  }
0x97: {  	_ =	strace $0x8FFFFFFF  }
0x98: {  	s19 =	sld [smem:$0x3FDB];
	_ =	sdelay $0x1  }
0x99: {  	s4 =	simm.s32 $_scs_section_size  }
0x9a: {  	s5 =	simm.s32 $_size__tile_overlayer_lowered;
	s6 =	simm.s32 $_tile_overlayer_lowered  }
0x9b: {  	s22 =	simm.s32 $0x1BFF;
	s21 =	sshll.u32 s6, $0x1;
	s3 =	sadd.s32 s4, s19  }
0x9c: {  	s7 =	simm.s32 $0x0;
	s20 =	sshll.u32 s5, $0x1;
	s5 =	sadd.s32 s21, s3  }
0x9d: {  	[timem:s7], [sflag:s22] =	dma.local [hbm:s5], s20  }
0x9e: {  	_ =	swait.ge [sflag:s22], s20  }
0x9f: {  	s4 =	ssub.s32 $0x0, s20;
	[sflag:s22] =	ssyncset.done $0x0  }
0xa0: {  	[sflag:s22] =	ssyncadd.s32 s4;
	_ =	sdelay $0x1  }
0xa1: {  	s23 =	simm.s32 $0x1B8B  }
0xa2: {  	_ =	swait.ge [sflag:s23], $0x1  }
0xa3: {  	[sflag:s23] =	ssyncset.done $0x0  }
0xa4: {  	s25 =	simm.s32 $0x1B8E;
	s24 =	sld [smem:$0x3FFE];
	[sflag:s23] =	ssyncadd.s32 $0xFFFFFFFF  }
0xa5: {  	s26 =	simm.s32 $execute0_lowered;
	[smem:$0x3FD2] =	sst s25  }
0xa6: {  	s5 =	sshll.u32 s26, $0x1;
	_ =	strace $0x80000046;
	[dreg:$0x1] =	wrdreg $0xFFFFFFFF  }
0xa7: {  	s28 =	simm.s32 $_size_execute0_lowered;
	s3 =	sadd.s32 s3, s5;
	[dreg:$0x0] =	wrdreg $0x0  }
0xa8: {  	s5 =	sshll.u32 s28, $0x1;
	[dreg:$0x2] =	wrdreg s3  }
0xa9: {  	[dreg:$0x3] =	wrdreg s5  }
0xaa: {  	[dreg:$0x4] =	wrdreg $0xC0  }
0xab: {  	_ =	task [dreg:s7], $0x5FFFF  }
0xac: {  	[dreg:$0x1] =	wrdreg $0xFFFFFFFF  }
0xad: {  	[dreg:$0x0] =	wrdreg $0x60  }
0xae: {  	[dreg:$0x2] =	wrdreg s24  }
0xaf: {  	[dreg:$0x3] =	wrdreg s2  }
0xb0: {  	[dreg:$0x4] =	wrdreg $0x190000  }
0xb1: {  	[dreg:$0x5] =	wrdreg $0x9  }
0xb2: {  	_ =	task.clear_ibuf [dreg:s7], $0x6FFFF;
	_ =	strace $0x90000046  }
0xb3: {  	s29 =	simm.s32 $0x9;
	_ =	strace $0x80000048  }
0xb4: {  	_ =	swait.ge [sflag:s29], $0x1  }
0xb5: {  	[sflag:s29] =	ssyncadd.s32 $0xFFFFFFFF  }
0xb6: {  	_ =	strace $0x90000048  }
0xb7: {  	_ =	sfence  }
0xb8: {  	s30 =	sld [smem:$0x0];
	_ =	sdelay $0x2  }
0xb9: {  	s31 =	sshll.u32 s1, $0xD;
	s1 =	sshrl.u32 s1, $0x2  }
0xba: {  	s3 =	sand.u32 $0x4000, s31;
	s1 =	sadd.s32 s1, s30  }
0xbb: {  	s0 =	sor.u32 s3, s0;
	s1 =	sshll.u32 s1, $0x11  }
0xbc: {  	s0 =	sor.u32 s1, s0  }
0xbd: {  	s0 =	sadd.s32 $0x8F2B, s0  }
0xbe: {  	[sflag:s0] =	ssyncadd.remote.s32 $0x1  }
0xbf: {  	_ =	sfence.sel $0xFFFF  }
0xc0: {  	[dreg:$0x0] =	wrdreg $0xFFFFFFFF;
	(pc) =	sbr.abs _section_cstart, $3  }
0xc1: {  	[dreg:$0x1] =	wrdreg $0xFFFFFFFF  }
0xc2: {  	_ =	task.clear_ibuf [dreg:s7], $0x2FFFF;
	_ =	strace $0x9FFFFFFF  }
0xc3: {  	(tm) =	ssettm $0x7FFFFFFF  }
tec
execute0_lowered:
.L_overlay_start_1:
0x0: {  	(tag) =	ssettag $0x1  }
0x1: {  	s0 =	rddreg [dreg:$0x0]  }
0x2: {  	s1 =	rddreg [dreg:$0x1]  }
0x3: {  	s2 =	srdreg.scid;
	s8 =	stileid.u32  }
0x4: {  	s3 =	rddreg [dreg:$0x2];
	s5 =	smul.u32 $0x14000, s8  }
0x5: {  	s6 =	simm.s32 $0x0;
	s2 =	sand.u32 $0x1, s2;
	s7 =	smul.u32 $0x5000, s8  }
0x6: {  	[smem:$0x7FF] =	sst s6;
	s4 =	smul.u32 $0x140000, s2  }
0x7: {  	s10 =	sshrl.u32 s8, $0x3;
	s13 =	sshll.u32 s8, $0x7;
	s23 =	smul.u32 $0x500, s8  }
0x8: {  	_ =	strace $0x80000047;
	s11 =	ssub.s32 $0x2, s2;
	s4 =	sadd.s32 s5, s4  }
0x9: {  	s6 =	sand.u32 $0x380, s13;
	s5 =	smul.u32 $0x50000, s10;
	s4 =	sshrl.u32 s4, $0x3  }
0xa: {  	s12 =	sshrl.u32 s11, $0x1;
	s7 =	sshrl.u32 s7, $0x2;
	s0 =	sadd.s32 s4, s0  }
0xb: {  	s4 =	ssub.s32 s11, s12;
	s5 =	sshrl.u32 s5, $0x2;
	s0 =	sadd.s32 $0x400, s0  }
0xc: {  	s5 =	sadd.s32 s5, s3;
	s8 =	smax.u32 s4, $0x1;
	[dreg:$0x4] =	wrdreg s0  }
0xd: {  	s14 =	sadd.s32 s6, s5;
	s5 =	sadd.s32 s7, s3;
	[dreg:$0x16] =	wrdreg s8  }
0xe: {  	[dreg:$0x5] =	wrdreg s14;
	s15 =	sadd.s32 $0x80, s5  }
0xf: {  	s16 =	sadd.s32 $0x100, s5;
	[dreg:$0x6] =	wrdreg s15  }
0x10: {  	s17 =	sadd.s32 $0x180, s5;
	[dreg:$0x7] =	wrdreg s16  }
0x11: {  	s18 =	sadd.s32 $0x200, s5;
	[dreg:$0x8] =	wrdreg s17  }
0x12: {  	s19 =	sadd.s32 $0x280, s5;
	[dreg:$0x9] =	wrdreg s18  }
0x13: {  	s20 =	sadd.s32 $0x300, s5;
	[dreg:$0xa] =	wrdreg s19  }
0x14: {  	s21 =	sadd.s32 $0x380, s5;
	[dreg:$0xb] =	wrdreg s20  }
0x15: {  	s22 =	sadd.s32 $0x14000, s5;
	[dreg:$0xc] =	wrdreg s21  }
0x16: {  	s3 =	sadd.s32 $0x14080, s5;
	[dreg:$0xd] =	wrdreg s22  }
0x17: {  	s24 =	sadd.s32 $0x14100, s5;
	[dreg:$0xe] =	wrdreg s3  }
0x18: {  	s25 =	sadd.s32 $0x14180, s5;
	[dreg:$0xf] =	wrdreg s24  }
0x19: {  	s26 =	sadd.s32 $0x14200, s5;
	[dreg:$0x10] =	wrdreg s25  }
0x1a: {  	s6 =	sadd.s32 $0x14300, s5;
	[dreg:$0x11] =	wrdreg s26  }
0x1b: {  	s7 =	sadd.s32 $0x14380, s5;
	[dreg:$0x13] =	wrdreg s6  }
0x1c: {  	s9 =	sadd.s32 $0x400, s5;
	[dreg:$0x14] =	wrdreg s7  }
0x1d: {  	s10 =	sadd.s32 $0x800, s5;
	[dreg:$0x17] =	wrdreg s9  }
0x1e: {  	s11 =	sadd.s32 $0xC00, s5;
	[dreg:$0x18] =	wrdreg s10  }
0x1f: {  	s12 =	sadd.s32 $0x1000, s5;
	[dreg:$0x19] =	wrdreg s11  }
0x20: {  	s13 =	sadd.s32 $0x480, s5;
	[dreg:$0x1a] =	wrdreg s12  }
0x21: {  	s2 =	sshll.u32 s2, $0x7;
	s14 =	sadd.s32 $0x880, s5;
	[dreg:$0x1b] =	wrdreg s13  }
0x22: {  	s0 =	sor.u32 s2, s23;
	s23 =	sadd.s32 $0xD80, s5;
	[dreg:$0x1c] =	wrdreg s14  }
0x23: {  	s2 =	sadd.s32 $0x1200, s5;
	[smem:$0x7E1] =	sst s23  }
0x24: {  	s4 =	sadd.s32 $0xA80, s5;
	[smem:$0x7E6] =	sst s2  }
0x25: {  	s8 =	sadd.s32 $0x700, s5;
	[smem:$0x7E8] =	sst s4  }
0x26: {  	s0 =	sshrl.u32 s0, $0x3;
	s3 =	sadd.s32 $0x14280, s5;
	[smem:$0x7EB] =	sst s8  }
0x27: {  	s0 =	sadd.s32 s1, s0;
	[dreg:$0x12] =	wrdreg s3  }
0x28: {  	s15 =	sadd.s32 $0xC80, s5;
	[dreg:$0x15] =	wrdreg s0  }
0x29: {  	s16 =	sadd.s32 $0x1080, s5;
	[dreg:$0x1d] =	wrdreg s15  }
0x2a: {  	s17 =	sadd.s32 $0x500, s5;
	[dreg:$0x1e] =	wrdreg s16  }
0x2b: {  	s18 =	sadd.s32 $0x900, s5;
	[dreg:$0x1f] =	wrdreg s17  }
0x2c: {  	s19 =	sadd.s32 $0xD00, s5;
	[smem:$0x7DC] =	sst s18  }
0x2d: {  	s20 =	sadd.s32 $0x1100, s5;
	[smem:$0x7DD] =	sst s19  }
0x2e: {  	s21 =	sadd.s32 $0x580, s5;
	[smem:$0x7DE] =	sst s20  }
0x2f: {  	s22 =	sadd.s32 $0x980, s5;
	[smem:$0x7DF] =	sst s21  }
0x30: {  	s24 =	sadd.s32 $0x1180, s5;
	[smem:$0x7E0] =	sst s22  }
0x31: {  	s25 =	sadd.s32 $0x600, s5;
	[smem:$0x7E2] =	sst s24  }
0x32: {  	s26 =	sadd.s32 $0xA00, s5;
	[smem:$0x7E3] =	sst s25  }
0x33: {  	s1 =	sadd.s32 $0xE00, s5;
	[smem:$0x7E4] =	sst s26  }
0x34: {  	s6 =	sadd.s32 $0xE80, s5;
	[smem:$0x7E5] =	sst s1  }
0x35: {  	s7 =	sadd.s32 $0x1280, s5;
	[smem:$0x7E9] =	sst s6  }
0x36: {  	s9 =	sadd.s32 $0xB00, s5;
	[smem:$0x7EA] =	sst s7  }
0x37: {  	s10 =	sadd.s32 $0xF00, s5;
	[smem:$0x7EC] =	sst s9  }
0x38: {  	s11 =	sadd.s32 $0x1300, s5;
	[smem:$0x7ED] =	sst s10  }
0x39: {  	s12 =	sadd.s32 $0x780, s5;
	[smem:$0x7EE] =	sst s11  }
0x3a: {  	s13 =	sadd.s32 $0xB80, s5;
	[smem:$0x7EF] =	sst s12  }
0x3b: {  	s28 =	simm.s32 $0x1;
	s14 =	sadd.s32 $0xF80, s5;
	[smem:$0x7F0] =	sst s13  }
0x3c: {  	s29 =	simm.s32 $0x14000;
	s23 =	sadd.s32 $0x15080, s5;
	[smem:$0x7F1] =	sst s14  }
0x3d: {  	s30 =	simm.s32 $0x80;
	s3 =	sadd.s32 $0x680, s5;
	[smem:$0x7FA] =	sst s23  }
0x3e: {  	s31 =	simm.s32 $0x0;
	s15 =	sadd.s32 $0x1380, s5;
	[smem:$0x7E7] =	sst s3  }
0x3f: {  	s8 =	sadd.s32 $0x14980, s5;
	s16 =	sadd.s32 $0x14400, s5;
	[smem:$0x7F2] =	sst s15  }
0x40: {  	s17 =	sadd.s32 $0x14800, s5;
	s18 =	sadd.s32 $0x14C00, s5;
	[smem:$0x7F3] =	sst s16  }
0x41: {  	s19 =	sadd.s32 $0x15000, s5;
	s20 =	sadd.s32 $0x14480, s5;
	[smem:$0x7F4] =	sst s17  }
0x42: {  	s21 =	sadd.s32 $0x14880, s5;
	s22 =	sadd.s32 $0x14C80, s5;
	[smem:$0x7F5] =	sst s18  }
0x43: {  	s24 =	sadd.s32 $0x14500, s5;
	s25 =	sadd.s32 $0x14900, s5;
	[smem:$0x7F6] =	sst s19  }
0x44: {  	s26 =	sadd.s32 $0x14D00, s5;
	s6 =	sadd.s32 $0x15100, s5;
	[smem:$0x7F7] =	sst s20  }
0x45: {  	s7 =	sadd.s32 $0x14580, s5;
	s9 =	sadd.s32 $0x14D80, s5;
	[smem:$0x7F8] =	sst s21  }
0x46: {  	s10 =	sadd.s32 $0x15180, s5;
	s11 =	sadd.s32 $0x14600, s5;
	[smem:$0x7F9] =	sst s22  }
0x47: {  	s12 =	sadd.s32 $0x14A00, s5;
	s13 =	sadd.s32 $0x14E00, s5;
	[smem:$0x7FB] =	sst s24  }
0x48: {  	s14 =	sadd.s32 $0x15200, s5;
	s23 =	sadd.s32 $0x14780, s5;
	[smem:$0x7FC] =	sst s25  }
0x49: {  	[smem:$0x7FD] =	sst s26;
	s15 =	sadd.s32 $0x14680, s5;
	s16 =	sadd.s32 $0x14A80, s5  }
0x4a: {  	s17 =	sadd.s32 $0x14E80, s5;
	s18 =	sadd.s32 $0x15280, s5;
	s19 =	sadd.s32 $0x14700, s5  }
0x4b: {  	s20 =	sadd.s32 $0x14B00, s5;
	s21 =	sadd.s32 $0x14F00, s5;
	s22 =	sadd.s32 $0x15300, s5  }
0x4c: {  	v0 =	vimm.s32 $0x0;
	v1 =	vimm.s32 $0x1;
	s24 =	sadd.s32 $0x14B80, s5;
	s25 =	sadd.s32 $0x14F80, s5;
	s26 =	sadd.s32 $0x15380, s5  }
.LBB2_1:
0x4d: {  	s0 =	simm.s32 $0x0;
	s1 =	rddreg [dreg:$0x4]  }
0x4e: {  	[tilespmem:s0], [sflag:$0x1] =	stream.linear.gather [hbm4b:s1+s0], $0x14000, $0x38;
	[tilespmem:$0x1B800] =	vst v63  }
0x4f: {  	_ =	swait.ge [sflag:s28], $0x14000  }
0x50: {  	[sflag:s28] =	ssyncset.done $0x0  }
0x51: {  	s0 =	simm.s32 $0x0;
	[sflag:s28] =	ssyncadd.s32 $0xFFFEC000  }
.LBB2_2:
0x52: {  	p0 =	sne.s32 s0, $0x9FC0  }
.Ltmp0:
0x53: {  	_ = 	snop;
	(pc) =	sbr.rel @p0 .LBB2_2-.Ltmp0, $3  }
0x54: {  	_ =	sdelay $0x1  }
0x55: {  	s1 =	sshra.s32 s0, $0x2  }
0x56: {  	s0 =	sadd.s32 $0x40, s0;
	[tilespmem:s1+$0x14000] =	vst v0  }
0x57: {  	s1 =	simm.s32 $0x0;
	s0 =	simm.s32 $0x200  }
.LBB2_4:
0x58: {  	p0 =	sne.s32 s0, $0x4FE00;
	v2 =	vld [tilespmem:s1+$0x0];
	_ =	sdelay $0x3  }
.Ltmp1:
0x59: {  	(pc) =	sbr.rel @p0 .LBB2_4-.Ltmp1, $2  }
0x5a: {  	_ =	sdelay $0x2  }
0x5b: {  	s1 =	sshra.s32 s0, $0x2;
	s0 =	sadd.s32 $0x200, s0;
	[tilespmem:v2+s29+$0x0] =	vst.idx.add.s32.msk $0xffff, v1  }
0x5c: {  	v2 =	vld [tilespmem:s1+$0x0];
	_ =	sdelay $0x7  }
0x5d: {  	s0 =	simm.s32 $0x14000;
	s4 =	rddreg [dreg:$0x5];
	s2 =	simm.s32 $0x400;
	[tilespmem:v2+s29+$0x0] =	vst.idx.add.s32.msk $0xffff, v1  }
0x5e: {  	[spmem:s4] =	stream.strided.scatter [tilespmem:s0], [sflag:$0x1], $0x2800, s2, s30, $0x38;
	[tilespmem:$0x1B800] =	vst v63  }
0x5f: {  	_ =	swait.ge [sflag:s28], $0x2800  }
0x60: {  	[sflag:s28] =	ssyncset.done $0x0  }
0x61: {  	[sflag:s28] =	ssyncadd.s32 $0xFFFFD800  }
0x62: {  	s2 =	simm.s32 $0x16800;
	[bflag:$0x0] =	sbarrier.arrive $0xFFFF  }
0x63: {  	[tilespmem:s2], [sflag:$0x1] =	stream.linear.gather [spmem:s5], $0x80, $0x38;
	[tilespmem:$0x1B800] =	vst v63  }
0x64: {  	s4 =	simm.s32 $0x16C00;
	s3 =	rddreg [dreg:$0x17]  }
0x65: {  	[tilespmem:s4], [sflag:$0x1] =	stream.linear.gather [spmem:s3], $0x80, $0x38;
	[tilespmem:$0x1B800] =	vst v63  }
0x66: {  	s3 =	rddreg [dreg:$0x18];
	s4 =	simm.s32 $0x17000  }
0x67: {  	[tilespmem:s4], [sflag:$0x1] =	stream.linear.gather [spmem:s3], $0x80, $0x38;
	[tilespmem:$0x1B800] =	vst v63  }
0x68: {  	s3 =	rddreg [dreg:$0x19];
	s4 =	simm.s32 $0x17400  }
0x69: {  	[tilespmem:s4], [sflag:$0x1] =	stream.linear.gather [spmem:s3], $0x80, $0x38;
	[tilespmem:$0x1B800] =	vst v63  }
0x6a: {  	s3 =	rddreg [dreg:$0x1a];
	s4 =	simm.s32 $0x17800  }
0x6b: {  	[tilespmem:s4], [sflag:$0x1] =	stream.linear.gather [spmem:s3], $0x80, $0x38;
	[tilespmem:$0x1B800] =	vst v63  }
0x6c: {  	_ =	swait.ge [sflag:s28], $0x280  }
0x6d: {  	[sflag:s28] =	ssyncset.done $0x0  }
0x6e: {  	s4 =	simm.s32 $0x16880;
	s3 =	rddreg [dreg:$0x6];
	[sflag:s28] =	ssyncadd.s32 $0xFFFFFD80  }
0x6f: {  	[tilespmem:s4], [sflag:$0x1] =	stream.linear.gather [spmem:s3], $0x80, $0x38;
	[tilespmem:$0x1B800] =	vst v63  }
0x70: {  	s3 =	rddreg [dreg:$0x1b];
	s4 =	simm.s32 $0x16C80  }
0x71: {  	[tilespmem:s4], [sflag:$0x1] =	stream.linear.gather [spmem:s3], $0x80, $0x38;
	[tilespmem:$0x1B800] =	vst v63  }
0x72: {  	s3 =	rddreg [dreg:$0x1c];
	s4 =	simm.s32 $0x17080  }
0x73: {  	[tilespmem:s4], [sflag:$0x1] =	stream.linear.gather [spmem:s3], $0x80, $0x38;
	[tilespmem:$0x1B800] =	vst v63  }
0x74: {  	s3 =	rddreg [dreg:$0x1d];
	s4 =	simm.s32 $0x17480  }
0x75: {  	[tilespmem:s4], [sflag:$0x1] =	stream.linear.gather [spmem:s3], $0x80, $0x38;
	[tilespmem:$0x1B800] =	vst v63  }
0x76: {  	s3 =	rddreg [dreg:$0x1e];
	s4 =	simm.s32 $0x17880  }
0x77: {  	[tilespmem:s4], [sflag:$0x1] =	stream.linear.gather [spmem:s3], $0x80, $0x38;
	[tilespmem:$0x1B800] =	vst v63  }
0x78: {  	_ =	swait.ge [sflag:s28], $0x280  }
0x79: {  	[sflag:s28] =	ssyncset.done $0x0  }
0x7a: {  	s4 =	simm.s32 $0x16900;
	s3 =	rddreg [dreg:$0x7];
	[sflag:s28] =	ssyncadd.s32 $0xFFFFFD80  }
0x7b: {  	[tilespmem:s4], [sflag:$0x1] =	stream.linear.gather [spmem:s3], $0x80, $0x38;
	[tilespmem:$0x1B800] =	vst v63  }
0x7c: {  	s3 =	rddreg [dreg:$0x1f];
	s4 =	simm.s32 $0x16D00  }
0x7d: {  	[tilespmem:s4], [sflag:$0x1] =	stream.linear.gather [spmem:s3], $0x80, $0x38;
	[tilespmem:$0x1B800] =	vst v63  }
0x7e: {  	s3 =	sld [smem:$0x7DC];
	_ =	sdelay $0x1  }
0x7f: {  	s4 =	simm.s32 $0x17100  }
0x80: {  	[tilespmem:s4], [sflag:$0x1] =	stream.linear.gather [spmem:s3], $0x80, $0x38;
	[tilespmem:$0x1B800] =	vst v63  }
0x81: {  	s3 =	sld [smem:$0x7DD];
	_ =	sdelay $0x1  }
0x82: {  	s4 =	simm.s32 $0x17500  }
0x83: {  	[tilespmem:s4], [sflag:$0x1] =	stream.linear.gather [spmem:s3], $0x80, $0x38;
	[tilespmem:$0x1B800] =	vst v63  }
0x84: {  	s3 =	sld [smem:$0x7DE];
	_ =	sdelay $0x1  }
0x85: {  	s4 =	simm.s32 $0x17900  }
0x86: {  	[tilespmem:s4], [sflag:$0x1] =	stream.linear.gather [spmem:s3], $0x80, $0x38;
	[tilespmem:$0x1B800] =	vst v63  }
0x87: {  	_ =	swait.ge [sflag:s28], $0x280  }
0x88: {  	[sflag:s28] =	ssyncset.done $0x0  }
0x89: {  	s4 =	simm.s32 $0x16980;
	s3 =	rddreg [dreg:$0x8];
	[sflag:s28] =	ssyncadd.s32 $0xFFFFFD80  }
0x8a: {  	[tilespmem:s4], [sflag:$0x1] =	stream.linear.gather [spmem:s3], $0x80, $0x38;
	[tilespmem:$0x1B800] =	vst v63  }
0x8b: {  	s3 =	sld [smem:$0x7DF];
	_ =	sdelay $0x1  }
0x8c: {  	s4 =	simm.s32 $0x16D80  }
0x8d: {  	[tilespmem:s4], [sflag:$0x1] =	stream.linear.gather [spmem:s3], $0x80, $0x38;
	[tilespmem:$0x1B800] =	vst v63  }
0x8e: {  	s3 =	sld [smem:$0x7E0];
	_ =	sdelay $0x1  }
0x8f: {  	s4 =	simm.s32 $0x17180  }
0x90: {  	[tilespmem:s4], [sflag:$0x1] =	stream.linear.gather [spmem:s3], $0x80, $0x38;
	[tilespmem:$0x1B800] =	vst v63  }
0x91: {  	s3 =	sld [smem:$0x7E1];
	_ =	sdelay $0x1  }
0x92: {  	s4 =	simm.s32 $0x17580  }
0x93: {  	[tilespmem:s4], [sflag:$0x1] =	stream.linear.gather [spmem:s3], $0x80, $0x38;
	[tilespmem:$0x1B800] =	vst v63  }
0x94: {  	s3 =	sld [smem:$0x7E2];
	_ =	sdelay $0x1  }
0x95: {  	s4 =	simm.s32 $0x17980  }
0x96: {  	[tilespmem:s4], [sflag:$0x1] =	stream.linear.gather [spmem:s3], $0x80, $0x38;
	[tilespmem:$0x1B800] =	vst v63  }
0x97: {  	_ =	swait.ge [sflag:s28], $0x280  }
0x98: {  	[sflag:s28] =	ssyncset.done $0x0  }
0x99: {  	s4 =	simm.s32 $0x16A00;
	s3 =	rddreg [dreg:$0x9];
	[sflag:s28] =	ssyncadd.s32 $0xFFFFFD80  }
0x9a: {  	[tilespmem:s4], [sflag:$0x1] =	stream.linear.gather [spmem:s3], $0x80, $0x38;
	[tilespmem:$0x1B800] =	vst v63  }
0x9b: {  	s3 =	sld [smem:$0x7E3];
	_ =	sdelay $0x1  }
0x9c: {  	s4 =	simm.s32 $0x16E00  }
0x9d: {  	[tilespmem:s4], [sflag:$0x1] =	stream.linear.gather [spmem:s3], $0x80, $0x38;
	[tilespmem:$0x1B800] =	vst v63  }
0x9e: {  	s3 =	sld [smem:$0x7E4];
	_ =	sdelay $0x1  }
0x9f: {  	s4 =	simm.s32 $0x17200  }
0xa0: {  	[tilespmem:s4], [sflag:$0x1] =	stream.linear.gather [spmem:s3], $0x80, $0x38;
	[tilespmem:$0x1B800] =	vst v63  }
0xa1: {  	s3 =	sld [smem:$0x7E5];
	_ =	sdelay $0x1  }
0xa2: {  	s4 =	simm.s32 $0x17600  }
0xa3: {  	[tilespmem:s4], [sflag:$0x1] =	stream.linear.gather [spmem:s3], $0x80, $0x38;
	[tilespmem:$0x1B800] =	vst v63  }
0xa4: {  	s3 =	sld [smem:$0x7E6];
	_ =	sdelay $0x1  }
0xa5: {  	s4 =	simm.s32 $0x17A00  }
0xa6: {  	[tilespmem:s4], [sflag:$0x1] =	stream.linear.gather [spmem:s3], $0x80, $0x38;
	[tilespmem:$0x1B800] =	vst v63  }
0xa7: {  	_ =	swait.ge [sflag:s28], $0x280  }
0xa8: {  	[sflag:s28] =	ssyncset.done $0x0  }
0xa9: {  	s4 =	simm.s32 $0x16A80;
	s3 =	rddreg [dreg:$0xa];
	[sflag:s28] =	ssyncadd.s32 $0xFFFFFD80  }
0xaa: {  	[tilespmem:s4], [sflag:$0x1] =	stream.linear.gather [spmem:s3], $0x80, $0x38;
	[tilespmem:$0x1B800] =	vst v63  }
0xab: {  	s3 =	sld [smem:$0x7E7];
	_ =	sdelay $0x1  }
0xac: {  	s4 =	simm.s32 $0x16E80  }
0xad: {  	[tilespmem:s4], [sflag:$0x1] =	stream.linear.gather [spmem:s3], $0x80, $0x38;
	[tilespmem:$0x1B800] =	vst v63  }
0xae: {  	s3 =	sld [smem:$0x7E8];
	_ =	sdelay $0x1  }
0xaf: {  	s4 =	simm.s32 $0x17280  }
0xb0: {  	[tilespmem:s4], [sflag:$0x1] =	stream.linear.gather [spmem:s3], $0x80, $0x38;
	[tilespmem:$0x1B800] =	vst v63  }
0xb1: {  	s3 =	sld [smem:$0x7E9];
	_ =	sdelay $0x1  }
0xb2: {  	s4 =	simm.s32 $0x17680  }
0xb3: {  	[tilespmem:s4], [sflag:$0x1] =	stream.linear.gather [spmem:s3], $0x80, $0x38;
	[tilespmem:$0x1B800] =	vst v63  }
0xb4: {  	s3 =	sld [smem:$0x7EA];
	_ =	sdelay $0x1  }
0xb5: {  	s4 =	simm.s32 $0x17A80  }
0xb6: {  	[tilespmem:s4], [sflag:$0x1] =	stream.linear.gather [spmem:s3], $0x80, $0x38;
	[tilespmem:$0x1B800] =	vst v63  }
0xb7: {  	_ =	swait.ge [sflag:s28], $0x280  }
0xb8: {  	[sflag:s28] =	ssyncset.done $0x0  }
0xb9: {  	s4 =	simm.s32 $0x16B00;
	s3 =	rddreg [dreg:$0xb];
	[sflag:s28] =	ssyncadd.s32 $0xFFFFFD80  }
0xba: {  	[tilespmem:s4], [sflag:$0x1] =	stream.linear.gather [spmem:s3], $0x80, $0x38;
	[tilespmem:$0x1B800] =	vst v63  }
0xbb: {  	s3 =	sld [smem:$0x7EB];
	_ =	sdelay $0x1  }
0xbc: {  	s4 =	simm.s32 $0x16F00  }
0xbd: {  	[tilespmem:s4], [sflag:$0x1] =	stream.linear.gather [spmem:s3], $0x80, $0x38;
	[tilespmem:$0x1B800] =	vst v63  }
0xbe: {  	s3 =	sld [smem:$0x7EC];
	_ =	sdelay $0x1  }
0xbf: {  	s4 =	simm.s32 $0x17300  }
0xc0: {  	[tilespmem:s4], [sflag:$0x1] =	stream.linear.gather [spmem:s3], $0x80, $0x38;
	[tilespmem:$0x1B800] =	vst v63  }
0xc1: {  	s3 =	sld [smem:$0x7ED];
	_ =	sdelay $0x1  }
0xc2: {  	s4 =	simm.s32 $0x17700  }
0xc3: {  	[tilespmem:s4], [sflag:$0x1] =	stream.linear.gather [spmem:s3], $0x80, $0x38;
	[tilespmem:$0x1B800] =	vst v63  }
0xc4: {  	s3 =	sld [smem:$0x7EE];
	_ =	sdelay $0x1  }
0xc5: {  	s4 =	simm.s32 $0x17B00  }
0xc6: {  	[tilespmem:s4], [sflag:$0x1] =	stream.linear.gather [spmem:s3], $0x80, $0x38;
	[tilespmem:$0x1B800] =	vst v63  }
0xc7: {  	_ =	swait.ge [sflag:s28], $0x280  }
0xc8: {  	[sflag:s28] =	ssyncset.done $0x0  }
0xc9: {  	s4 =	simm.s32 $0x16B80;
	s3 =	rddreg [dreg:$0xc];
	[sflag:s28] =	ssyncadd.s32 $0xFFFFFD80  }
0xca: {  	[tilespmem:s4], [sflag:$0x1] =	stream.linear.gather [spmem:s3], $0x80, $0x38;
	[tilespmem:$0x1B800] =	vst v63  }
0xcb: {  	s3 =	sld [smem:$0x7EF];
	_ =	sdelay $0x1  }
0xcc: {  	s4 =	simm.s32 $0x16F80  }
0xcd: {  	[tilespmem:s4], [sflag:$0x1] =	stream.linear.gather [spmem:s3], $0x80, $0x38;
	[tilespmem:$0x1B800] =	vst v63  }
0xce: {  	s3 =	sld [smem:$0x7F0];
	_ =	sdelay $0x1  }
0xcf: {  	s4 =	simm.s32 $0x17380  }
0xd0: {  	[tilespmem:s4], [sflag:$0x1] =	stream.linear.gather [spmem:s3], $0x80, $0x38;
	[tilespmem:$0x1B800] =	vst v63  }
0xd1: {  	s3 =	sld [smem:$0x7F1];
	_ =	sdelay $0x1  }
0xd2: {  	s4 =	simm.s32 $0x17780  }
0xd3: {  	[tilespmem:s4], [sflag:$0x1] =	stream.linear.gather [spmem:s3], $0x80, $0x38;
	[tilespmem:$0x1B800] =	vst v63  }
0xd4: {  	s3 =	sld [smem:$0x7F2];
	_ =	sdelay $0x1  }
0xd5: {  	s4 =	simm.s32 $0x17B80  }
0xd6: {  	[tilespmem:s4], [sflag:$0x1] =	stream.linear.gather [spmem:s3], $0x80, $0x38;
	[tilespmem:$0x1B800] =	vst v63  }
0xd7: {  	_ =	swait.ge [sflag:s28], $0x280  }
0xd8: {  	[sflag:s28] =	ssyncset.done $0x0  }
0xd9: {  	s4 =	simm.s32 $0x17C00;
	s3 =	rddreg [dreg:$0xd];
	[sflag:s28] =	ssyncadd.s32 $0xFFFFFD80  }
0xda: {  	[tilespmem:s4], [sflag:$0x1] =	stream.linear.gather [spmem:s3], $0x80, $0x38;
	[tilespmem:$0x1B800] =	vst v63  }
0xdb: {  	s3 =	sld [smem:$0x7F3];
	_ =	sdelay $0x1  }
0xdc: {  	s4 =	simm.s32 $0x18000  }
0xdd: {  	[tilespmem:s4], [sflag:$0x1] =	stream.linear.gather [spmem:s3], $0x80, $0x38;
	[tilespmem:$0x1B800] =	vst v63  }
0xde: {  	s3 =	sld [smem:$0x7F4];
	_ =	sdelay $0x1  }
0xdf: {  	s4 =	simm.s32 $0x18400  }
0xe0: {  	[tilespmem:s4], [sflag:$0x1] =	stream.linear.gather [spmem:s3], $0x80, $0x38;
	[tilespmem:$0x1B800] =	vst v63  }
0xe1: {  	s3 =	sld [smem:$0x7F5];
	_ =	sdelay $0x1  }
0xe2: {  	s4 =	simm.s32 $0x18800  }
0xe3: {  	[tilespmem:s4], [sflag:$0x1] =	stream.linear.gather [spmem:s3], $0x80, $0x38;
	[tilespmem:$0x1B800] =	vst v63  }
0xe4: {  	s3 =	sld [smem:$0x7F6];
	_ =	sdelay $0x1  }
0xe5: {  	s4 =	simm.s32 $0x18C00  }
0xe6: {  	[tilespmem:s4], [sflag:$0x1] =	stream.linear.gather [spmem:s3], $0x80, $0x38;
	[tilespmem:$0x1B800] =	vst v63  }
0xe7: {  	_ =	swait.ge [sflag:s28], $0x280  }
0xe8: {  	[sflag:s28] =	ssyncset.done $0x0  }
0xe9: {  	s4 =	simm.s32 $0x17C80;
	s3 =	rddreg [dreg:$0xe];
	[sflag:s28] =	ssyncadd.s32 $0xFFFFFD80  }
0xea: {  	[tilespmem:s4], [sflag:$0x1] =	stream.linear.gather [spmem:s3], $0x80, $0x38;
	[tilespmem:$0x1B800] =	vst v63  }
0xeb: {  	s3 =	sld [smem:$0x7F7];
	_ =	sdelay $0x1  }
0xec: {  	s4 =	simm.s32 $0x18080  }
0xed: {  	[tilespmem:s4], [sflag:$0x1] =	stream.linear.gather [spmem:s3], $0x80, $0x38;
	[tilespmem:$0x1B800] =	vst v63  }
0xee: {  	s3 =	sld [smem:$0x7F8];
	_ =	sdelay $0x1  }
0xef: {  	s4 =	simm.s32 $0x18480  }
0xf0: {  	[tilespmem:s4], [sflag:$0x1] =	stream.linear.gather [spmem:s3], $0x80, $0x38;
	[tilespmem:$0x1B800] =	vst v63  }
0xf1: {  	s3 =	sld [smem:$0x7F9];
	_ =	sdelay $0x1  }
0xf2: {  	s4 =	simm.s32 $0x18880  }
0xf3: {  	[tilespmem:s4], [sflag:$0x1] =	stream.linear.gather [spmem:s3], $0x80, $0x38;
	[tilespmem:$0x1B800] =	vst v63  }
0xf4: {  	s3 =	sld [smem:$0x7FA];
	_ =	sdelay $0x1  }
0xf5: {  	s4 =	simm.s32 $0x18C80  }
0xf6: {  	[tilespmem:s4], [sflag:$0x1] =	stream.linear.gather [spmem:s3], $0x80, $0x38;
	[tilespmem:$0x1B800] =	vst v63  }
0xf7: {  	_ =	swait.ge [sflag:s28], $0x280  }
0xf8: {  	[sflag:s28] =	ssyncset.done $0x0  }
0xf9: {  	s4 =	simm.s32 $0x17D00;
	s3 =	rddreg [dreg:$0xf];
	[sflag:s28] =	ssyncadd.s32 $0xFFFFFD80  }
0xfa: {  	[tilespmem:s4], [sflag:$0x1] =	stream.linear.gather [spmem:s3], $0x80, $0x38;
	[tilespmem:$0x1B800] =	vst v63  }
0xfb: {  	s3 =	sld [smem:$0x7FB];
	_ =	sdelay $0x1  }
0xfc: {  	s4 =	simm.s32 $0x18100  }
0xfd: {  	[tilespmem:s4], [sflag:$0x1] =	stream.linear.gather [spmem:s3], $0x80, $0x38;
	[tilespmem:$0x1B800] =	vst v63  }
0xfe: {  	s3 =	sld [smem:$0x7FC];
	_ =	sdelay $0x1  }
0xff: {  	s2 =	sld [smem:$0x7FD];
	s4 =	simm.s32 $0x18500  }
0x100: {  	[tilespmem:s4], [sflag:$0x1] =	stream.linear.gather [spmem:s3], $0x80, $0x38;
	[tilespmem:$0x1B800] =	vst v63  }
0x101: {  	s3 =	simm.s32 $0x18900  }
0x102: {  	[tilespmem:s3], [sflag:$0x1] =	stream.linear.gather [spmem:s2], $0x80, $0x38;
	[tilespmem:$0x1B800] =	vst v63  }
0x103: {  	s4 =	simm.s32 $0x18D00  }
0x104: {  	[tilespmem:s4], [sflag:$0x1] =	stream.linear.gather [spmem:s6], $0x80, $0x38;
	[tilespmem:$0x1B800] =	vst v63  }
0x105: {  	_ =	swait.ge [sflag:s28], $0x280  }
0x106: {  	[sflag:s28] =	ssyncset.done $0x0  }
0x107: {  	s3 =	simm.s32 $0x17D80;
	s2 =	rddreg [dreg:$0x10];
	[sflag:s28] =	ssyncadd.s32 $0xFFFFFD80  }
0x108: {  	[tilespmem:s3], [sflag:$0x1] =	stream.linear.gather [spmem:s2], $0x80, $0x38;
	[tilespmem:$0x1B800] =	vst v63  }
0x109: {  	s4 =	simm.s32 $0x18180  }
0x10a: {  	[tilespmem:s4], [sflag:$0x1] =	stream.linear.gather [spmem:s7], $0x80, $0x38;
	[tilespmem:$0x1B800] =	vst v63  }
0x10b: {  	s2 =	simm.s32 $0x18580  }
0x10c: {  	[tilespmem:s2], [sflag:$0x1] =	stream.linear.gather [spmem:s8], $0x80, $0x38;
	[tilespmem:$0x1B800] =	vst v63  }
0x10d: {  	s3 =	simm.s32 $0x18980  }
0x10e: {  	[tilespmem:s3], [sflag:$0x1] =	stream.linear.gather [spmem:s9], $0x80, $0x38;
	[tilespmem:$0x1B800] =	vst v63  }
0x10f: {  	s4 =	simm.s32 $0x18D80  }
0x110: {  	[tilespmem:s4], [sflag:$0x1] =	stream.linear.gather [spmem:s10], $0x80, $0x38;
	[tilespmem:$0x1B800] =	vst v63  }
0x111: {  	_ =	swait.ge [sflag:s28], $0x280  }
0x112: {  	[sflag:s28] =	ssyncset.done $0x0  }
0x113: {  	s3 =	simm.s32 $0x17E00;
	s2 =	rddreg [dreg:$0x11];
	[sflag:s28] =	ssyncadd.s32 $0xFFFFFD80  }
0x114: {  	[tilespmem:s3], [sflag:$0x1] =	stream.linear.gather [spmem:s2], $0x80, $0x38;
	[tilespmem:$0x1B800] =	vst v63  }
0x115: {  	s4 =	simm.s32 $0x18200  }
0x116: {  	[tilespmem:s4], [sflag:$0x1] =	stream.linear.gather [spmem:s11], $0x80, $0x38;
	[tilespmem:$0x1B800] =	vst v63  }
0x117: {  	s2 =	simm.s32 $0x18600  }
0x118: {  	[tilespmem:s2], [sflag:$0x1] =	stream.linear.gather [spmem:s12], $0x80, $0x38;
	[tilespmem:$0x1B800] =	vst v63  }
0x119: {  	s3 =	simm.s32 $0x18A00  }
0x11a: {  	[tilespmem:s3], [sflag:$0x1] =	stream.linear.gather [spmem:s13], $0x80, $0x38;
	[tilespmem:$0x1B800] =	vst v63  }
0x11b: {  	s4 =	simm.s32 $0x18E00  }
0x11c: {  	[tilespmem:s4], [sflag:$0x1] =	stream.linear.gather [spmem:s14], $0x80, $0x38;
	[tilespmem:$0x1B800] =	vst v63  }
0x11d: {  	_ =	swait.ge [sflag:s28], $0x280  }
0x11e: {  	[sflag:s28] =	ssyncset.done $0x0  }
0x11f: {  	s3 =	simm.s32 $0x17E80;
	s2 =	rddreg [dreg:$0x12];
	[sflag:s28] =	ssyncadd.s32 $0xFFFFFD80  }
0x120: {  	[tilespmem:s3], [sflag:$0x1] =	stream.linear.gather [spmem:s2], $0x80, $0x38;
	[tilespmem:$0x1B800] =	vst v63  }
0x121: {  	s4 =	simm.s32 $0x18280  }
0x122: {  	[tilespmem:s4], [sflag:$0x1] =	stream.linear.gather [spmem:s15], $0x80, $0x38;
	[tilespmem:$0x1B800] =	vst v63  }
0x123: {  	s2 =	simm.s32 $0x18680  }
0x124: {  	[tilespmem:s2], [sflag:$0x1] =	stream.linear.gather [spmem:s16], $0x80, $0x38;
	[tilespmem:$0x1B800] =	vst v63  }
0x125: {  	s3 =	simm.s32 $0x18A80  }
0x126: {  	[tilespmem:s3], [sflag:$0x1] =	stream.linear.gather [spmem:s17], $0x80, $0x38;
	[tilespmem:$0x1B800] =	vst v63  }
0x127: {  	s4 =	simm.s32 $0x18E80  }
0x128: {  	[tilespmem:s4], [sflag:$0x1] =	stream.linear.gather [spmem:s18], $0x80, $0x38;
	[tilespmem:$0x1B800] =	vst v63  }
0x129: {  	_ =	swait.ge [sflag:s28], $0x280  }
0x12a: {  	[sflag:s28] =	ssyncset.done $0x0  }
0x12b: {  	s3 =	simm.s32 $0x17F00;
	s2 =	rddreg [dreg:$0x13];
	[sflag:s28] =	ssyncadd.s32 $0xFFFFFD80  }
0x12c: {  	[tilespmem:s3], [sflag:$0x1] =	stream.linear.gather [spmem:s2], $0x80, $0x38;
	[tilespmem:$0x1B800] =	vst v63  }
0x12d: {  	s4 =	simm.s32 $0x18300  }
0x12e: {  	[tilespmem:s4], [sflag:$0x1] =	stream.linear.gather [spmem:s19], $0x80, $0x38;
	[tilespmem:$0x1B800] =	vst v63  }
0x12f: {  	s2 =	simm.s32 $0x18700  }
0x130: {  	[tilespmem:s2], [sflag:$0x1] =	stream.linear.gather [spmem:s20], $0x80, $0x38;
	[tilespmem:$0x1B800] =	vst v63  }
0x131: {  	s3 =	simm.s32 $0x18B00  }
0x132: {  	[tilespmem:s3], [sflag:$0x1] =	stream.linear.gather [spmem:s21], $0x80, $0x38;
	[tilespmem:$0x1B800] =	vst v63  }
0x133: {  	s4 =	simm.s32 $0x18F00  }
0x134: {  	[tilespmem:s4], [sflag:$0x1] =	stream.linear.gather [spmem:s22], $0x80, $0x38;
	[tilespmem:$0x1B800] =	vst v63  }
0x135: {  	_ =	swait.ge [sflag:s28], $0x280  }
0x136: {  	[sflag:s28] =	ssyncset.done $0x0  }
0x137: {  	s3 =	simm.s32 $0x17F80;
	s2 =	rddreg [dreg:$0x14];
	[sflag:s28] =	ssyncadd.s32 $0xFFFFFD80  }
0x138: {  	[tilespmem:s3], [sflag:$0x1] =	stream.linear.gather [spmem:s2], $0x80, $0x38;
	[tilespmem:$0x1B800] =	vst v63  }
0x139: {  	s4 =	simm.s32 $0x18380  }
0x13a: {  	[tilespmem:s4], [sflag:$0x1] =	stream.linear.gather [spmem:s23], $0x80, $0x38;
	[tilespmem:$0x1B800] =	vst v63  }
0x13b: {  	s2 =	simm.s32 $0x18780  }
0x13c: {  	[tilespmem:s2], [sflag:$0x1] =	stream.linear.gather [spmem:s24], $0x80, $0x38;
	[tilespmem:$0x1B800] =	vst v63  }
0x13d: {  	s3 =	simm.s32 $0x18B80  }
0x13e: {  	[tilespmem:s3], [sflag:$0x1] =	stream.linear.gather [spmem:s25], $0x80, $0x38;
	[tilespmem:$0x1B800] =	vst v63  }
0x13f: {  	s4 =	simm.s32 $0x18F80;
	s2 =	simm.s32 $0x0  }
0x140: {  	[tilespmem:s4], [sflag:$0x1] =	stream.linear.gather [spmem:s26], $0x80, $0x38;
	[tilespmem:$0x1B800] =	vst v63  }
0x141: {  	s1 =	sand.u32 $0x1C00, s2;
	s3 =	sand.u32 $0x70, s2;
	_ =	swait.ge [sflag:s28], $0x280  }
0x142: {  	s1 =	sor.u32 s3, s1;
	[sflag:s28] =	ssyncset.done $0x0  }
0x143: {  	s2 =	sadd.s32 $0x16800, s1;
	[sflag:s28] =	ssyncadd.s32 $0xFFFFFD80  }
0x144: {  	v2 =	vld [tilespmem:s2+$0x80]  }
0x145: {  	v3 =	vld [tilespmem:s1+$0x16800]  }
0x146: {  	v4 =	vld [tilespmem:s2+$0x100]  }
0x147: {  	v5 =	vld [tilespmem:s2+$0x180]  }
0x148: {  	v6 =	vld [tilespmem:s2+$0x200]  }
0x149: {  	v7 =	vld [tilespmem:s2+$0x280]  }
0x14a: {  	v2 =	vadd.s32 v3, v2;
	v3 =	vld [tilespmem:s2+$0x300]  }
0x14b: {  	v56 =	vld [tilespmem:s2+$0x380];
	v2 =	vadd.s32 v4, v2  }
0x14c: {  	v57 =	vld [tilespmem:s1+$0x17C00];
	v2 =	vadd.s32 v5, v2  }
0x14d: {  	v58 =	vld [tilespmem:s1+$0x17C80];
	v2 =	vadd.s32 v6, v2  }
0x14e: {  	v59 =	vld [tilespmem:s1+$0x17D00];
	v2 =	vadd.s32 v7, v2  }
0x14f: {  	v2 =	vadd.s32 v3, v2;
	v3 =	vld [tilespmem:s1+$0x17D80]  }
0x150: {  	v60 =	vld [tilespmem:s1+$0x17E00];
	v2 =	vadd.s32 v56, v2  }
0x151: {  	v61 =	vld [tilespmem:s1+$0x17E80];
	v2 =	vadd.s32 v57, v2  }
0x152: {  	v62 =	vld [tilespmem:s1+$0x17F00];
	v2 =	vadd.s32 v58, v2  }
0x153: {  	v63 =	vld [tilespmem:s1+$0x17F80];
	v2 =	vadd.s32 v59, v2  }
0x154: {  	v2 =	vadd.s32 v3, v2  }
0x155: {  	v2 =	vadd.s32 v60, v2  }
0x156: {  	s4 =	simm.s32 $0x10;
	s2 =	simm.s32 $0x80;
	v2 =	vadd.s32 v61, v2  }
0x157: {  	s3 =	sand.u32 $0x1C00, s2;
	s1 =	sand.u32 $0x70, s4;
	v2 =	vadd.s32 v62, v2  }
0x158: {  	s1 =	sor.u32 s1, s3;
	s3 =	simm.s32 $0x20;
	v2 =	vadd.s32 v63, v2  }
.LBB2_6:
0x159: {  	p0 =	sne.s32 s3, $0x270;
	s4 =	sadd.s32 $0x16800, s1;
	[tilespmem:s0+$0x0] =	vst v2  }
0x15a: {  	v2 =	vld [tilespmem:s4+$0x80]  }
0x15b: {  	v3 =	vld [tilespmem:s1+$0x16800]  }
0x15c: {  	v4 =	vld [tilespmem:s4+$0x100]  }
0x15d: {  	v5 =	vld [tilespmem:s4+$0x180]  }
0x15e: {  	v6 =	vld [tilespmem:s4+$0x200]  }
0x15f: {  	v7 =	vld [tilespmem:s4+$0x280]  }
0x160: {  	v2 =	vadd.s32 v3, v2;
	v3 =	vld [tilespmem:s4+$0x300]  }
0x161: {  	v2 =	vadd.s32 v4, v2;
	v4 =	vld [tilespmem:s4+$0x380]  }
0x162: {  	v2 =	vadd.s32 v5, v2;
	v5 =	vld [tilespmem:s1+$0x17C00]  }
0x163: {  	v2 =	vadd.s32 v6, v2;
	v6 =	vld [tilespmem:s1+$0x17C80]  }
0x164: {  	v2 =	vadd.s32 v7, v2;
	v7 =	vld [tilespmem:s1+$0x17D00]  }
0x165: {  	v2 =	vadd.s32 v3, v2;
	v3 =	vld [tilespmem:s1+$0x17D80]  }
0x166: {  	v2 =	vadd.s32 v4, v2;
	v4 =	vld [tilespmem:s1+$0x17E00]  }
0x167: {  	v2 =	vadd.s32 v5, v2;
	v5 =	vld [tilespmem:s1+$0x17E80]  }
0x168: {  	v2 =	vadd.s32 v6, v2;
	v6 =	vld [tilespmem:s1+$0x17F00]  }
0x169: {  	v2 =	vadd.s32 v7, v2;
	v7 =	vld [tilespmem:s1+$0x17F80]  }
.Ltmp2:
0x16a: {  	v2 =	vadd.s32 v3, v2;
	(pc) =	sbr.rel @p0 .LBB2_6-.Ltmp2, $4  }
0x16b: {  	v2 =	vadd.s32 v4, v2  }
0x16c: {  	s2 =	sadd.s32 $0x80, s2;
	v2 =	vadd.s32 v5, v2  }
0x16d: {  	s4 =	sand.u32 $0x1C00, s2;
	s1 =	sand.u32 $0x70, s3;
	v2 =	vadd.s32 v6, v2  }
0x16e: {  	s0 =	sadd.s32 $0x10, s0;
	s3 =	sadd.s32 $0x10, s3;
	s1 =	sor.u32 s1, s4;
	v2 =	vadd.s32 v7, v2  }
0x16f: {  	s2 =	sadd.s32 $0x16800, s1;
	[tilespmem:s0+$0x0] =	vst v2  }
0x170: {  	v2 =	vld [tilespmem:s2+$0x80]  }
0x171: {  	v3 =	vld [tilespmem:s1+$0x16800]  }
0x172: {  	v4 =	vld [tilespmem:s2+$0x100]  }
0x173: {  	v5 =	vld [tilespmem:s2+$0x180]  }
0x174: {  	v6 =	vld [tilespmem:s2+$0x200]  }
0x175: {  	v7 =	vld [tilespmem:s2+$0x280]  }
0x176: {  	v2 =	vadd.s32 v3, v2;
	v3 =	vld [tilespmem:s2+$0x300]  }
0x177: {  	v56 =	vld [tilespmem:s2+$0x380];
	v2 =	vadd.s32 v4, v2  }
0x178: {  	v57 =	vld [tilespmem:s1+$0x17C00];
	v2 =	vadd.s32 v5, v2  }
0x179: {  	v58 =	vld [tilespmem:s1+$0x17C80];
	v2 =	vadd.s32 v6, v2  }
0x17a: {  	v59 =	vld [tilespmem:s1+$0x17D00];
	v2 =	vadd.s32 v7, v2  }
0x17b: {  	v2 =	vadd.s32 v3, v2;
	v3 =	vld [tilespmem:s1+$0x17D80]  }
0x17c: {  	v60 =	vld [tilespmem:s1+$0x17E00];
	v2 =	vadd.s32 v56, v2  }
0x17d: {  	v61 =	vld [tilespmem:s1+$0x17E80];
	v2 =	vadd.s32 v57, v2  }
0x17e: {  	v62 =	vld [tilespmem:s1+$0x17F00];
	v2 =	vadd.s32 v58, v2  }
0x17f: {  	v63 =	vld [tilespmem:s1+$0x17F80];
	v2 =	vadd.s32 v59, v2  }
0x180: {  	v2 =	vadd.s32 v3, v2  }
0x181: {  	v2 =	vadd.s32 v60, v2  }
0x182: {  	v2 =	vadd.s32 v61, v2  }
0x183: {  	v2 =	vadd.s32 v62, v2  }
0x184: {  	s1 =	sadd.s32 $0x10, s0;
	v2 =	vadd.s32 v63, v2  }
0x185: {  	s3 =	simm.s32 $0x100;
	s2 =	rddreg [dreg:$0x15];
	[tilespmem:s1+$0x0] =	vst v2  }
0x186: {  	[hbm4b:s2+s30] =	stream.strided.scatter [tilespmem:s29], [sflag:$0x1], $0x280, s3, s30, $0x38;
	[tilespmem:$0x1B800] =	vst v63  }
0x187: {  	_ =	swait.ge [sflag:s28], $0x280  }
0x188: {  	s31 =	sadd.s32 $0x1, s31;
	s4 =	rddreg [dreg:$0x16]  }
0x189: {  	p0 =	sne.s32 s31, s4  }
.Ltmp3:
0x18a: {  	_ = 	snop;
	(pc) =	sbr.rel @p0 .LBB2_1-.Ltmp3, $3  }
0x18b: {  	_ =	sdelay $0x1  }
0x18c: {  	[sflag:s28] =	ssyncset.done $0x0  }
0x18d: {  	[sflag:s28] =	ssyncadd.s32 $0xFFFFFD80  }
0x18e: {  	_ =	sfence.sel $0x180000  }
0x18f: {  	[bflag:$0x0] =	sbarrier.arrive $0xFFFF  }
0x190: {  	_ =	strace $0x90000047  }
0x191: {  	s0 =	stileid.u32;
	[bflag:$0x2] =	sbarrier.arrive $0xFFFF  }
0x192: {  	p0 =	sne.s32 s0, $0x0;
	s0 =	rddreg [dreg:$0x3]  }
0x193: {  	s0 =	sadd.s32 @!p0 $0x100000, s0  }
0x194: {  	[sflag:s0] =	ssyncadd.tile.s32 @!p0 $0x1;
	_ =	shalt  }
.Lfunc_end2:
_tile_overlayer_lowered:
.L_overlay_start_2:
0x195: {  	(tag) =	ssettag $0x2  }
0x196: {  	s0 =	rddreg [dreg:$0x0];
	s2 =	stileid.u32  }
0x197: {  	s1 =	rddreg [dreg:$0x1];
	p0 =	sne.s32 s2, $0x0  }
0x198: {  	s3 =	rddreg [dreg:$0x2];
	[bflag:$0x3] =	sbarrier.arrive $0xFFFF;
	s2 =	simm.s32 @!p0 $0x1C01  }
0x199: {  	[timem:s3], [sflag:s2] =	dma.local @!p0 [hbm:s0], s1  }
0x19a: {  	s0 =	simm.s32 @!p0 $0x1  }
0x19b: {  	_ =	swait.ge @!p0 [sflag:s0], s1  }
0x19c: {  	s1 =	ssub.s32 @!p0 $0x0, s1;
	[sflag:s0] =	ssyncset.done @!p0 $0x0  }
0x19d: {  	[sflag:s0] =	ssyncadd.s32 @!p0 s1  }
0x19e: {  	[bflag:$0x3] =	sbarrier.arrive $0xFFFF  }
0x19f: {  	_ =	shalt  }

</sc_bundles>
